<compile_context>
chip_gen: v7x
topology: tpu7x:2x2x1
jax: 0.10.2.dev20260603
libtpu: 0.0.44.dev20260713+nightly
codegen_flags: <defaults>
</compile_context>

<pallas_src>
import functools

import jax
import jax.numpy as jnp
from jax import lax
from jax.experimental import pallas as pl
from jax.experimental.pallas import tpu as pltpu
from jax.experimental.pallas import tpu_sc as plsc

_N = 10000
_E = 320000
_D = 128
_NC = 2
_NS = 16
_NW = _NC * _NS
_EPT = _E // _NW
_C = 80
_CHUNKS = _EPT // _C
_RPT = 624
_RLAST = _N - 15 * _RPT


def _sc_mesh():
    return plsc.VectorSubcoreMesh(core_axis_name="c", subcore_axis_name="s")



@functools.partial(
    pl.kernel,
    out_type=jax.ShapeDtypeStruct((_NC, _N), jnp.float32),
    mesh=_sc_mesh(),
    scratch_types=[
        pltpu.VMEM((_C,), jnp.int32),
        pltpu.VMEM((_C,), jnp.float32),
        pltpu.VMEM_SHARED((_N,), jnp.float32),
    ],
)
def _sc_deg(dst_hbm, zeros_hbm, out_hbm, dstv, ones, acc):
    c = lax.axis_index("c")
    s = lax.axis_index("s")
    for k in range(_C // 16):
        ones[pl.ds(k * 16, 16)] = jnp.ones((16,), jnp.float32)

    @pl.when(s == 0)
    def _():
        pltpu.sync_copy(zeros_hbm, acc)

    plsc.subcore_barrier()

    wid = c * _NS + s

    def body(i, carry):
        base = wid * _EPT + i * _C
        pltpu.sync_copy(dst_hbm.at[pl.ds(base, _C)], dstv)
        pltpu.sync_copy(ones, acc.at[dstv], add=True)
        return carry

    lax.fori_loop(0, _CHUNKS, body, 0)
    plsc.subcore_barrier()

    @pl.when(s == 0)
    def _():
        pltpu.sync_copy(acc, out_hbm.at[c])



@functools.partial(
    pl.kernel,
    out_type=jax.ShapeDtypeStruct((_NC, _N, _D), jnp.float32),
    mesh=_sc_mesh(),
    scratch_types=[
        pltpu.VMEM((_C,), jnp.int32),
        pltpu.VMEM((_C,), jnp.int32),
        pltpu.VMEM((_C, _D), jnp.float32),
        pltpu.VMEM_SHARED((_N, _D), jnp.float32),
        pltpu.SemaphoreType.DMA,
    ],
)
def _sc_agg(y_hbm, src_hbm, dst_hbm, zeros_hbm, out_hbm,
            srcv, dstv, rows, acc, sem):
    c = lax.axis_index("c")
    s = lax.axis_index("s")

    @pl.when(s < _NS - 1)
    def _():
        r0 = s * _RPT
        pltpu.sync_copy(zeros_hbm.at[pl.ds(r0, _RPT)],
                        acc.at[pl.ds(r0, _RPT)])

    @pl.when(s == _NS - 1)
    def _():
        r0 = 15 * _RPT
        pltpu.sync_copy(zeros_hbm.at[pl.ds(r0, _RLAST)],
                        acc.at[pl.ds(r0, _RLAST)])

    plsc.subcore_barrier()

    wid = c * _NS + s

    def body(i, carry):
        base = wid * _EPT + i * _C
        pltpu.sync_copy(src_hbm.at[pl.ds(base, _C)], srcv)
        pltpu.sync_copy(dst_hbm.at[pl.ds(base, _C)], dstv)
        pltpu.async_copy(y_hbm.at[srcv], rows, sem).wait()
        pltpu.sync_copy(rows, acc.at[dstv], add=True)
        return carry

    lax.fori_loop(0, _CHUNKS, body, 0)
    plsc.subcore_barrier()

    @pl.when(s < _NS - 1)
    def _():
        r0 = s * _RPT
        pltpu.sync_copy(acc.at[pl.ds(r0, _RPT)],
                        out_hbm.at[c].at[pl.ds(r0, _RPT)])

    @pl.when(s == _NS - 1)
    def _():
        r0 = 15 * _RPT
        pltpu.sync_copy(acc.at[pl.ds(r0, _RLAST)],
                        out_hbm.at[c].at[pl.ds(r0, _RLAST)])



def _tc1_body(x_ref, w_ref, degp_ref, y_ref, dis_ref):
    d = degp_ref[0] + degp_ref[1] + 1.0
    dis = lax.rsqrt(d)
    dis_ref[...] = dis
    y_ref[...] = dis * jnp.dot(x_ref[...], w_ref[...],
                               preferred_element_type=jnp.float32)


def _tc1(x, w, degp):
    return pl.pallas_call(
        _tc1_body,
        out_shape=(
            jax.ShapeDtypeStruct((_N, _D), jnp.float32),
            jax.ShapeDtypeStruct((_N, 1), jnp.float32),
        ),
    )(x, w, degp)


def _tc2_body(agg_ref, y_ref, dis_ref, b_ref, w_ref, out_ref):
    dis = dis_ref[...]
    z = dis * (agg_ref[0] + agg_ref[1] + y_ref[...]) + b_ref[...]
    h = jnp.maximum(z, 0.0)
    out_ref[...] = dis * jnp.dot(h, w_ref[...],
                                 preferred_element_type=jnp.float32)


def _tc2(agg, y, dis, b, w):
    return pl.pallas_call(
        _tc2_body,
        out_shape=jax.ShapeDtypeStruct((_N, _D), jnp.float32),
    )(agg, y, dis, b, w)


def _tc3_body(agg_ref, y_ref, dis_ref, b_ref, out_ref):
    out_ref[...] = (dis_ref[...] * (agg_ref[0] + agg_ref[1] + y_ref[...])
                    + b_ref[...])


def _tc3(agg, y, dis, b):
    return pl.pallas_call(
        _tc3_body,
        out_shape=jax.ShapeDtypeStruct((_N, _D), jnp.float32),
    )(agg, y, dis, b)



def kernel(x, edge_index, W1, b1, W2, b2, W3, b3):
    src = edge_index[0]
    dst = edge_index[1]
    zeros_n = jnp.zeros((_N,), jnp.float32)
    zeros_nd = jnp.zeros((_N, _D), jnp.float32)

    degp = _sc_deg(dst, zeros_n)
    y1, dis = _tc1(x, W1, degp.reshape(_NC, _N, 1))
    a1 = _sc_agg(y1, src, dst, zeros_nd)
    y2 = _tc2(a1, y1, dis, b1.reshape(1, _D), W2)
    a2 = _sc_agg(y2, src, dst, zeros_nd)
    y3 = _tc2(a2, y2, dis, b2.reshape(1, _D), W3)
    a3 = _sc_agg(y3, src, dst, zeros_nd)
    return _tc3(a3, y3, dis, b3.reshape(1, _D))

# --- scband reference (transcript-rebuilt; emitter-appended) ---
"""Pipeline reference for scband-gnnencoder-11871289606581 (READ-ONLY COPY).

The authoritative reference and input builder live on the scoring server;
editing this copy changes nothing except your own understanding.
"""

import jax, jax.numpy as jnp
import numpy as np

N = 10000
E = 320000
D_IN = 128
D_HID = 128
D_LAT = 128


def setup_inputs(seed: int = 0) -> dict:
    key = jax.random.key(seed)
    ks = jax.random.split(key, 9)
    x = jax.random.normal(ks[0], (N, D_IN), dtype=jnp.float32)
    edge_index = jax.random.randint(ks[1], (2, E), 0, N, dtype=jnp.int32)
    s1 = 1.0 / np.sqrt(D_IN)
    s2 = 1.0 / np.sqrt(D_HID)
    W1 = jax.random.normal(ks[2], (D_IN, D_HID), dtype=jnp.float32) * s1
    b1 = jnp.zeros((D_HID,), dtype=jnp.float32)
    W2 = jax.random.normal(ks[3], (D_HID, D_HID), dtype=jnp.float32) * s2
    b2 = jnp.zeros((D_HID,), dtype=jnp.float32)
    W3 = jax.random.normal(ks[4], (D_HID, D_LAT), dtype=jnp.float32) * s2
    b3 = jnp.zeros((D_LAT,), dtype=jnp.float32)
    return {"x": x, "edge_index": edge_index, "W1": W1, "b1": b1, "W2": W2, "b2": b2, "W3": W3, "b3": b3}


def _gcn_conv(x, edge_index, W, b):
    # GCNConv: out = D^{-1/2} (A + I) D^{-1/2} X W + b
    n = x.shape[0]
    loop = jnp.arange(n, dtype=edge_index.dtype)
    src = jnp.concatenate([edge_index[0], loop])
    dst = jnp.concatenate([edge_index[1], loop])
    deg = jnp.zeros((n,), dtype=x.dtype).at[dst].add(1.0)
    dis = jax.lax.rsqrt(deg)  # deg >= 1 due to self-loops
    norm = dis[src] * dis[dst]
    xw = x @ W
    msgs = norm[:, None] * jnp.take(xw, src, axis=0)
    out = jnp.zeros_like(xw).at[dst].add(msgs)
    return out + b


def reference(x, edge_index, W1, b1, W2, b2, W3, b3):
    h = jax.nn.relu(_gcn_conv(x, edge_index, W1, b1))
    h = jax.nn.relu(_gcn_conv(h, edge_index, W2, b2))
    out = _gcn_conv(h, edge_index, W3, b3)
    return out

if __name__ == "__main__":
    import jax
    _d = setup_inputs()
    print(jax.jit(kernel)(*tuple(_d.values())))

</pallas_src>

<mosaic_0001>
#map = affine_map<(d0, d1) -> (0, 0)>
#map1 = affine_map<(d0, d1) -> (0)>
#map2 = affine_map<(d0, d1) -> (0, 0, 0)>
module attributes {stable_mosaic.version = 14 : i64} {
  func.func @_sc_agg(%arg0: i32, %arg1: i32, %arg2: memref<10000x128xf32, #tpu.memory_space<hbm>>, %arg3: memref<320000xi32, #tpu.memory_space<hbm>>, %arg4: memref<320000xi32, #tpu.memory_space<hbm>>, %arg5: memref<10000x128xf32, #tpu.memory_space<hbm>>, %arg6: memref<2x10000x128xf32, #tpu.memory_space<hbm>>, %arg7: memref<80xi32, #tpu.memory_space<vmem>>, %arg8: memref<80xi32, #tpu.memory_space<vmem>>, %arg9: memref<80x128xf32, #tpu.memory_space<vmem>>, %arg10: memref<10000x128xf32, #tpu.memory_space<vmem_shared>>, %arg11: memref<!tpu.dma_semaphore, #tpu.memory_space<semaphore_mem>>) attributes {dimension_semantics = [#tpu.dimension_semantics<core_parallel>, #tpu.dimension_semantics<subcore_parallel>], iteration_bounds = array<i64: 2, 16>, scalar_prefetch = 0 : i64, scratch_operands = 5 : i64, tpu.core_type = #tpu.core_type<sc_vector_subcore>, window_params = [{transform_indices = #map}, {transform_indices = #map1}, {transform_indices = #map1}, {transform_indices = #map}, {transform_indices = #map2}]} {
    %lt3A = arith.constant 15 : i32
    %lt3A_0 = arith.cmpi slt, %arg1, %lt3A : i32
    %convert_element_type3A = arith.extui %lt3A_0 : i1 to i32
    %cond3A = arith.constant 0 : i32
    %cond3A_1 = arith.cmpi ne, %convert_element_type3A, %cond3A : i32
    scf.if %cond3A_1 {
      %mul3A_23 = arith.constant 624 : i32
      %mul3A_24 = arith.muli %arg1, %mul3A_23 : i32
      "tpu.region"() ({
        %run_scoped3A = tpu.sem_alloc : memref<!tpu.dma_semaphore, #tpu.memory_space<semaphore_mem>>
        %dma_start3A = arith.constant 0 : i32
        %dma_start3A_25 = tpu.memref_slice %arg10[%mul3A_24, %dma_start3A] : memref<10000x128xf32, #tpu.memory_space<vmem_shared>> -> memref<624x128xf32, #tpu.memory_space<vmem_shared>>
        %dma_start3A_26 = arith.constant 0 : i32
        %dma_start3A_27 = tpu.memref_slice %arg5[%mul3A_24, %dma_start3A_26] : memref<10000x128xf32, #tpu.memory_space<hbm>> -> memref<624x128xf32, #tpu.memory_space<hbm>>
        tpu.enqueue_dma source(%dma_start3A_27 : memref<624x128xf32, #tpu.memory_space<hbm>>) target(%dma_start3A_25 : memref<624x128xf32, #tpu.memory_space<vmem_shared>>) target_semaphore(%run_scoped3A : memref<!tpu.dma_semaphore, #tpu.memory_space<semaphore_mem>>)
        %dma_wait3A = arith.constant 0 : i32
        %dma_wait3A_28 = tpu.memref_slice %arg10[%mul3A_24, %dma_wait3A] : memref<10000x128xf32, #tpu.memory_space<vmem_shared>> -> memref<624x128xf32, #tpu.memory_space<vmem_shared>>
        %dma_wait3A_29 = arith.constant 0 : i32
        %dma_wait3A_30 = tpu.memref_slice %arg5[%mul3A_24, %dma_wait3A_29] : memref<10000x128xf32, #tpu.memory_space<hbm>> -> memref<624x128xf32, #tpu.memory_space<hbm>>
        tpu.wait_dma2 semaphore(%run_scoped3A : memref<!tpu.dma_semaphore, #tpu.memory_space<semaphore_mem>>) src(%dma_wait3A_30 : memref<624x128xf32, #tpu.memory_space<hbm>>) dst(%dma_wait3A_28 : memref<624x128xf32, #tpu.memory_space<vmem_shared>>)
        tpu.yield
      }) : () -> ()
    } else {
    }
    %eq3A = arith.constant 15 : i32
    %eq3A_2 = arith.cmpi eq, %arg1, %eq3A : i32
    %convert_element_type3A_3 = arith.extui %eq3A_2 : i1 to i32
    %cond3A_4 = arith.constant 0 : i32
    %cond3A_5 = arith.cmpi ne, %convert_element_type3A_3, %cond3A_4 : i32
    scf.if %cond3A_5 {
      "tpu.region"() ({
        %run_scoped3A = tpu.sem_alloc : memref<!tpu.dma_semaphore, #tpu.memory_space<semaphore_mem>>
        %dma_start3A = arith.constant 9360 : i32
        %dma_start3A_23 = arith.constant 0 : i32
        %dma_start3A_24 = tpu.memref_slice %arg10[%dma_start3A, %dma_start3A_23] : memref<10000x128xf32, #tpu.memory_space<vmem_shared>> -> memref<640x128xf32, #tpu.memory_space<vmem_shared>>
        %dma_start3A_25 = arith.constant 9360 : i32
        %dma_start3A_26 = arith.constant 0 : i32
        %dma_start3A_27 = tpu.memref_slice %arg5[%dma_start3A_25, %dma_start3A_26] : memref<10000x128xf32, #tpu.memory_space<hbm>> -> memref<640x128xf32, #tpu.memory_space<hbm>>
        tpu.enqueue_dma source(%dma_start3A_27 : memref<640x128xf32, #tpu.memory_space<hbm>>) target(%dma_start3A_24 : memref<640x128xf32, #tpu.memory_space<vmem_shared>>) target_semaphore(%run_scoped3A : memref<!tpu.dma_semaphore, #tpu.memory_space<semaphore_mem>>)
        %dma_wait3A = arith.constant 9360 : i32
        %dma_wait3A_28 = arith.constant 0 : i32
        %dma_wait3A_29 = tpu.memref_slice %arg10[%dma_wait3A, %dma_wait3A_28] : memref<10000x128xf32, #tpu.memory_space<vmem_shared>> -> memref<640x128xf32, #tpu.memory_space<vmem_shared>>
        %dma_wait3A_30 = arith.constant 9360 : i32
        %dma_wait3A_31 = arith.constant 0 : i32
        %dma_wait3A_32 = tpu.memref_slice %arg5[%dma_wait3A_30, %dma_wait3A_31] : memref<10000x128xf32, #tpu.memory_space<hbm>> -> memref<640x128xf32, #tpu.memory_space<hbm>>
        tpu.wait_dma2 semaphore(%run_scoped3A : memref<!tpu.dma_semaphore, #tpu.memory_space<semaphore_mem>>) src(%dma_wait3A_32 : memref<640x128xf32, #tpu.memory_space<hbm>>) dst(%dma_wait3A_29 : memref<640x128xf32, #tpu.memory_space<vmem_shared>>)
        tpu.yield
      }) : () -> ()
    } else {
    }
    %barrier3A = arith.constant 0 : index
    tpu.barrier barrier_id(%barrier3A)
    %mul3A = arith.constant 16 : i32
    %mul3A_6 = arith.muli %arg0, %mul3A : i32
    %add3A = arith.addi %mul3A_6, %arg1 : i32
    %scan3A = arith.constant 0 : i32
    %scan3A_7 = arith.constant 0 : i32
    %scan3A_8 = arith.constant 125 : i32
    %scan3A_9 = arith.addi %scan3A_7, %scan3A_8 : i32
    %scan3A_10 = arith.constant 1 : i32
    scf.for %scan3A_23 = %scan3A_7 to %scan3A_9 step %scan3A_10  : i32 {
      %mul3A_24 = arith.constant 10000 : i32
      %mul3A_25 = arith.muli %add3A, %mul3A_24 : i32
      %mul3A_26 = arith.constant 80 : i32
      %mul3A_27 = arith.muli %scan3A_23, %mul3A_26 : i32
      %add3A_28 = arith.addi %mul3A_25, %mul3A_27 : i32
      "tpu.region"() ({
        %run_scoped3A = tpu.sem_alloc : memref<!tpu.dma_semaphore, #tpu.memory_space<semaphore_mem>>
        %dma_start3A_33 = tpu.memref_slice %arg3[%add3A_28] : memref<320000xi32, #tpu.memory_space<hbm>> -> memref<80xi32, #tpu.memory_space<hbm>>
        %dma_start3A_34 = tpu.memref_slice %arg3[%add3A_28] : memref<320000xi32, #tpu.memory_space<hbm>> -> memref<80xi32, #tpu.memory_space<hbm>>
        tpu.enqueue_dma source(%dma_start3A_34 : memref<80xi32, #tpu.memory_space<hbm>>) target(%arg7 : memref<80xi32, #tpu.memory_space<vmem>>) target_semaphore(%run_scoped3A : memref<!tpu.dma_semaphore, #tpu.memory_space<semaphore_mem>>)
        %dma_wait3A_35 = tpu.memref_slice %arg3[%add3A_28] : memref<320000xi32, #tpu.memory_space<hbm>> -> memref<80xi32, #tpu.memory_space<hbm>>
        %dma_wait3A_36 = tpu.memref_slice %arg3[%add3A_28] : memref<320000xi32, #tpu.memory_space<hbm>> -> memref<80xi32, #tpu.memory_space<hbm>>
        tpu.wait_dma2 semaphore(%run_scoped3A : memref<!tpu.dma_semaphore, #tpu.memory_space<semaphore_mem>>) src(%dma_wait3A_36 : memref<80xi32, #tpu.memory_space<hbm>>) dst(%arg7 : memref<80xi32, #tpu.memory_space<vmem>>)
        tpu.yield
      }) : () -> ()
      "tpu.region"() ({
        %run_scoped3A = tpu.sem_alloc : memref<!tpu.dma_semaphore, #tpu.memory_space<semaphore_mem>>
        %dma_start3A_33 = tpu.memref_slice %arg4[%add3A_28] : memref<320000xi32, #tpu.memory_space<hbm>> -> memref<80xi32, #tpu.memory_space<hbm>>
        %dma_start3A_34 = tpu.memref_slice %arg4[%add3A_28] : memref<320000xi32, #tpu.memory_space<hbm>> -> memref<80xi32, #tpu.memory_space<hbm>>
        tpu.enqueue_dma source(%dma_start3A_34 : memref<80xi32, #tpu.memory_space<hbm>>) target(%arg8 : memref<80xi32, #tpu.memory_space<vmem>>) target_semaphore(%run_scoped3A : memref<!tpu.dma_semaphore, #tpu.memory_space<semaphore_mem>>)
        %dma_wait3A_35 = tpu.memref_slice %arg4[%add3A_28] : memref<320000xi32, #tpu.memory_space<hbm>> -> memref<80xi32, #tpu.memory_space<hbm>>
        %dma_wait3A_36 = tpu.memref_slice %arg4[%add3A_28] : memref<320000xi32, #tpu.memory_space<hbm>> -> memref<80xi32, #tpu.memory_space<hbm>>
        tpu.wait_dma2 semaphore(%run_scoped3A : memref<!tpu.dma_semaphore, #tpu.memory_space<semaphore_mem>>) src(%dma_wait3A_36 : memref<80xi32, #tpu.memory_space<hbm>>) dst(%arg8 : memref<80xi32, #tpu.memory_space<vmem>>)
        tpu.yield
      }) : () -> ()
      %dma_start3A = arith.constant 0 : i32
      %dma_start3A_29 = arith.constant 0 : i32
      %dma_start3A_30 = tpu.memref_slice %arg2[%dma_start3A, %dma_start3A_29] : memref<10000x128xf32, #tpu.memory_space<hbm>> -> memref<10000x128xf32, #tpu.memory_space<hbm>>
      tpu.enqueue_indirect_dma source(%dma_start3A_30 : memref<10000x128xf32, #tpu.memory_space<hbm>>) target(%arg9 : memref<80x128xf32, #tpu.memory_space<vmem>>) offsets(%arg7 : memref<80xi32, #tpu.memory_space<vmem>>) semaphore(%arg11 : memref<!tpu.dma_semaphore, #tpu.memory_space<semaphore_mem>>)
      %dma_wait3A = arith.constant 0 : i32
      %dma_wait3A_31 = arith.constant 0 : i32
      %dma_wait3A_32 = tpu.memref_slice %arg2[%dma_wait3A, %dma_wait3A_31] : memref<10000x128xf32, #tpu.memory_space<hbm>> -> memref<10000x128xf32, #tpu.memory_space<hbm>>
      tpu.wait_indirect_dma semaphore(%arg11 : memref<!tpu.dma_semaphore, #tpu.memory_space<semaphore_mem>>) src(%dma_wait3A_32 : memref<10000x128xf32, #tpu.memory_space<hbm>>) dst(%arg9 : memref<80x128xf32, #tpu.memory_space<vmem>>)
      "tpu.region"() ({
        %run_scoped3A = tpu.sem_alloc : memref<!tpu.dma_semaphore, #tpu.memory_space<semaphore_mem>>
        %dma_start3A_33 = arith.constant 0 : i32
        %dma_start3A_34 = arith.constant 0 : i32
        %dma_start3A_35 = tpu.memref_slice %arg10[%dma_start3A_33, %dma_start3A_34] : memref<10000x128xf32, #tpu.memory_space<vmem_shared>> -> memref<10000x128xf32, #tpu.memory_space<vmem_shared>>
        tpu.enqueue_indirect_dma source(%arg9 : memref<80x128xf32, #tpu.memory_space<vmem>>) target(%dma_start3A_35 : memref<10000x128xf32, #tpu.memory_space<vmem_shared>>) offsets(%arg8 : memref<80xi32, #tpu.memory_space<vmem>>) semaphore(%run_scoped3A : memref<!tpu.dma_semaphore, #tpu.memory_space<semaphore_mem>>) {add = true}
        %dma_wait3A_36 = arith.constant 0 : i32
        %dma_wait3A_37 = arith.constant 0 : i32
        %dma_wait3A_38 = tpu.memref_slice %arg10[%dma_wait3A_36, %dma_wait3A_37] : memref<10000x128xf32, #tpu.memory_space<vmem_shared>> -> memref<10000x128xf32, #tpu.memory_space<vmem_shared>>
        tpu.wait_indirect_dma semaphore(%run_scoped3A : memref<!tpu.dma_semaphore, #tpu.memory_space<semaphore_mem>>) src(%arg9 : memref<80x128xf32, #tpu.memory_space<vmem>>) dst(%dma_wait3A_38 : memref<10000x128xf32, #tpu.memory_space<vmem_shared>>)
        tpu.yield
      }) : () -> ()
    }
    %scan3A_11 = arith.constant 125 : i32
    %barrier3A_12 = arith.constant 0 : index
    tpu.barrier barrier_id(%barrier3A_12)
    %lt3A_13 = arith.constant 15 : i32
    %lt3A_14 = arith.cmpi slt, %arg1, %lt3A_13 : i32
    %convert_element_type3A_15 = arith.extui %lt3A_14 : i1 to i32
    %cond3A_16 = arith.constant 0 : i32
    %cond3A_17 = arith.cmpi ne, %convert_element_type3A_15, %cond3A_16 : i32
    scf.if %cond3A_17 {
      %mul3A_23 = arith.constant 624 : i32
      %mul3A_24 = arith.muli %arg1, %mul3A_23 : i32
      "tpu.region"() ({
        %run_scoped3A = tpu.sem_alloc : memref<!tpu.dma_semaphore, #tpu.memory_space<semaphore_mem>>
        %dma_start3A = arith.constant 0 : i32
        %dma_start3A_25 = arith.constant 0 : i32
        %dma_start3A_26 = tpu.memref_slice %arg6[%arg0, %dma_start3A, %dma_start3A_25] : memref<2x10000x128xf32, #tpu.memory_space<hbm>> -> memref<1x10000x128xf32, #tpu.memory_space<hbm>>
        %dma_start3A_27 = tpu.memref_squeeze %dma_start3A_26 : memref<1x10000x128xf32, #tpu.memory_space<hbm>> -> memref<10000x128xf32, #tpu.memory_space<hbm>>
        %dma_start3A_28 = arith.constant 0 : i32
        %dma_start3A_29 = tpu.memref_slice %dma_start3A_27[%mul3A_24, %dma_start3A_28] : memref<10000x128xf32, #tpu.memory_space<hbm>> -> memref<624x128xf32, #tpu.memory_space<hbm>>
        %dma_start3A_30 = arith.constant 0 : i32
        %dma_start3A_31 = tpu.memref_slice %arg10[%mul3A_24, %dma_start3A_30] : memref<10000x128xf32, #tpu.memory_space<vmem_shared>> -> memref<624x128xf32, #tpu.memory_space<vmem_shared>>
        tpu.enqueue_dma source(%dma_start3A_31 : memref<624x128xf32, #tpu.memory_space<vmem_shared>>) target(%dma_start3A_29 : memref<624x128xf32, #tpu.memory_space<hbm>>) target_semaphore(%run_scoped3A : memref<!tpu.dma_semaphore, #tpu.memory_space<semaphore_mem>>)
        %dma_wait3A = arith.constant 0 : i32
        %dma_wait3A_32 = arith.constant 0 : i32
        %dma_wait3A_33 = tpu.memref_slice %arg6[%arg0, %dma_wait3A, %dma_wait3A_32] : memref<2x10000x128xf32, #tpu.memory_space<hbm>> -> memref<1x10000x128xf32, #tpu.memory_space<hbm>>
        %dma_wait3A_34 = tpu.memref_squeeze %dma_wait3A_33 : memref<1x10000x128xf32, #tpu.memory_space<hbm>> -> memref<10000x128xf32, #tpu.memory_space<hbm>>
        %dma_wait3A_35 = arith.constant 0 : i32
        %dma_wait3A_36 = tpu.memref_slice %dma_wait3A_34[%mul3A_24, %dma_wait3A_35] : memref<10000x128xf32, #tpu.memory_space<hbm>> -> memref<624x128xf32, #tpu.memory_space<hbm>>
        %dma_wait3A_37 = arith.constant 0 : i32
        %dma_wait3A_38 = tpu.memref_slice %arg10[%mul3A_24, %dma_wait3A_37] : memref<10000x128xf32, #tpu.memory_space<vmem_shared>> -> memref<624x128xf32, #tpu.memory_space<vmem_shared>>
        tpu.wait_dma2 semaphore(%run_scoped3A : memref<!tpu.dma_semaphore, #tpu.memory_space<semaphore_mem>>) src(%dma_wait3A_38 : memref<624x128xf32, #tpu.memory_space<vmem_shared>>) dst(%dma_wait3A_36 : memref<624x128xf32, #tpu.memory_space<hbm>>)
        tpu.yield
      }) : () -> ()
    } else {
    }
    %eq3A_18 = arith.constant 15 : i32
    %eq3A_19 = arith.cmpi eq, %arg1, %eq3A_18 : i32
    %convert_element_type3A_20 = arith.extui %eq3A_19 : i1 to i32
    %cond3A_21 = arith.constant 0 : i32
    %cond3A_22 = arith.cmpi ne, %convert_element_type3A_20, %cond3A_21 : i32
    scf.if %cond3A_22 {
      "tpu.region"() ({
        %run_scoped3A = tpu.sem_alloc : memref<!tpu.dma_semaphore, #tpu.memory_space<semaphore_mem>>
        %dma_start3A = arith.constant 0 : i32
        %dma_start3A_23 = arith.constant 0 : i32
        %dma_start3A_24 = tpu.memref_slice %arg6[%arg0, %dma_start3A, %dma_start3A_23] : memref<2x10000x128xf32, #tpu.memory_space<hbm>> -> memref<1x10000x128xf32, #tpu.memory_space<hbm>>
        %dma_start3A_25 = tpu.memref_squeeze %dma_start3A_24 : memref<1x10000x128xf32, #tpu.memory_space<hbm>> -> memref<10000x128xf32, #tpu.memory_space<hbm>>
        %dma_start3A_26 = arith.constant 9360 : i32
        %dma_start3A_27 = arith.constant 0 : i32
        %dma_start3A_28 = tpu.memref_slice %dma_start3A_25[%dma_start3A_26, %dma_start3A_27] : memref<10000x128xf32, #tpu.memory_space<hbm>> -> memref<640x128xf32, #tpu.memory_space<hbm>>
        %dma_start3A_29 = arith.constant 9360 : i32
        %dma_start3A_30 = arith.constant 0 : i32
        %dma_start3A_31 = tpu.memref_slice %arg10[%dma_start3A_29, %dma_start3A_30] : memref<10000x128xf32, #tpu.memory_space<vmem_shared>> -> memref<640x128xf32, #tpu.memory_space<vmem_shared>>
        tpu.enqueue_dma source(%dma_start3A_31 : memref<640x128xf32, #tpu.memory_space<vmem_shared>>) target(%dma_start3A_28 : memref<640x128xf32, #tpu.memory_space<hbm>>) target_semaphore(%run_scoped3A : memref<!tpu.dma_semaphore, #tpu.memory_space<semaphore_mem>>)
        %dma_wait3A = arith.constant 0 : i32
        %dma_wait3A_32 = arith.constant 0 : i32
        %dma_wait3A_33 = tpu.memref_slice %arg6[%arg0, %dma_wait3A, %dma_wait3A_32] : memref<2x10000x128xf32, #tpu.memory_space<hbm>> -> memref<1x10000x128xf32, #tpu.memory_space<hbm>>
        %dma_wait3A_34 = tpu.memref_squeeze %dma_wait3A_33 : memref<1x10000x128xf32, #tpu.memory_space<hbm>> -> memref<10000x128xf32, #tpu.memory_space<hbm>>
        %dma_wait3A_35 = arith.constant 9360 : i32
        %dma_wait3A_36 = arith.constant 0 : i32
        %dma_wait3A_37 = tpu.memref_slice %dma_wait3A_34[%dma_wait3A_35, %dma_wait3A_36] : memref<10000x128xf32, #tpu.memory_space<hbm>> -> memref<640x128xf32, #tpu.memory_space<hbm>>
        %dma_wait3A_38 = arith.constant 9360 : i32
        %dma_wait3A_39 = arith.constant 0 : i32
        %dma_wait3A_40 = tpu.memref_slice %arg10[%dma_wait3A_38, %dma_wait3A_39] : memref<10000x128xf32, #tpu.memory_space<vmem_shared>> -> memref<640x128xf32, #tpu.memory_space<vmem_shared>>
        tpu.wait_dma2 semaphore(%run_scoped3A : memref<!tpu.dma_semaphore, #tpu.memory_space<semaphore_mem>>) src(%dma_wait3A_40 : memref<640x128xf32, #tpu.memory_space<vmem_shared>>) dst(%dma_wait3A_37 : memref<640x128xf32, #tpu.memory_space<hbm>>)
        tpu.yield
      }) : () -> ()
    } else {
    }
    return
  }
}

#map = affine_map<(d0, d1) -> (0, 0)>
#map1 = affine_map<(d0, d1) -> (0)>
#map2 = affine_map<(d0, d1) -> (0, 0, 0)>
module attributes {stable_mosaic.version = 14 : i64} {
  func.func @_sc_agg(%arg0: i32, %arg1: i32, %arg2: memref<10000x128xf32, #tpu.memory_space<hbm>>, %arg3: memref<320000xi32, #tpu.memory_space<hbm>>, %arg4: memref<320000xi32, #tpu.memory_space<hbm>>, %arg5: memref<10000x128xf32, #tpu.memory_space<hbm>>, %arg6: memref<2x10000x128xf32, #tpu.memory_space<hbm>>, %arg7: memref<80xi32, #tpu.memory_space<vmem>>, %arg8: memref<80xi32, #tpu.memory_space<vmem>>, %arg9: memref<80x128xf32, #tpu.memory_space<vmem>>, %arg10: memref<10000x128xf32, #tpu.memory_space<vmem_shared>>, %arg11: memref<!tpu.dma_semaphore, #tpu.memory_space<semaphore_mem>>) attributes {dimension_semantics = [#tpu.dimension_semantics<core_parallel>, #tpu.dimension_semantics<subcore_parallel>], iteration_bounds = array<i64: 2, 16>, scalar_prefetch = 0 : i64, scratch_operands = 5 : i64, tpu.core_type = #tpu.core_type<sc_vector_subcore>, window_params = [{transform_indices = #map}, {transform_indices = #map1}, {transform_indices = #map1}, {transform_indices = #map}, {transform_indices = #map2}]} {
    %lt3A = arith.constant 15 : i32
    %lt3A_0 = arith.cmpi slt, %arg1, %lt3A : i32
    %convert_element_type3A = arith.extui %lt3A_0 : i1 to i32
    %cond3A = arith.constant 0 : i32
    %cond3A_1 = arith.cmpi ne, %convert_element_type3A, %cond3A : i32
    scf.if %cond3A_1 {
      %mul3A_23 = arith.constant 624 : i32
      %mul3A_24 = arith.muli %arg1, %mul3A_23 : i32
      "tpu.region"() ({
        %run_scoped3A = tpu.sem_alloc : memref<!tpu.dma_semaphore, #tpu.memory_space<semaphore_mem>>
        %dma_start3A = arith.constant 0 : i32
        %dma_start3A_25 = tpu.memref_slice %arg10[%mul3A_24, %dma_start3A] : memref<10000x128xf32, #tpu.memory_space<vmem_shared>> -> memref<624x128xf32, #tpu.memory_space<vmem_shared>>
        %dma_start3A_26 = arith.constant 0 : i32
        %dma_start3A_27 = tpu.memref_slice %arg5[%mul3A_24, %dma_start3A_26] : memref<10000x128xf32, #tpu.memory_space<hbm>> -> memref<624x128xf32, #tpu.memory_space<hbm>>
        tpu.enqueue_dma source(%dma_start3A_27 : memref<624x128xf32, #tpu.memory_space<hbm>>) target(%dma_start3A_25 : memref<624x128xf32, #tpu.memory_space<vmem_shared>>) target_semaphore(%run_scoped3A : memref<!tpu.dma_semaphore, #tpu.memory_space<semaphore_mem>>)
        %dma_wait3A = arith.constant 0 : i32
        %dma_wait3A_28 = tpu.memref_slice %arg10[%mul3A_24, %dma_wait3A] : memref<10000x128xf32, #tpu.memory_space<vmem_shared>> -> memref<624x128xf32, #tpu.memory_space<vmem_shared>>
        %dma_wait3A_29 = arith.constant 0 : i32
        %dma_wait3A_30 = tpu.memref_slice %arg5[%mul3A_24, %dma_wait3A_29] : memref<10000x128xf32, #tpu.memory_space<hbm>> -> memref<624x128xf32, #tpu.memory_space<hbm>>
        tpu.wait_dma2 semaphore(%run_scoped3A : memref<!tpu.dma_semaphore, #tpu.memory_space<semaphore_mem>>) src(%dma_wait3A_30 : memref<624x128xf32, #tpu.memory_space<hbm>>) dst(%dma_wait3A_28 : memref<624x128xf32, #tpu.memory_space<vmem_shared>>)
        tpu.yield
      }) : () -> ()
    } else {
    }
    %eq3A = arith.constant 15 : i32
    %eq3A_2 = arith.cmpi eq, %arg1, %eq3A : i32
    %convert_element_type3A_3 = arith.extui %eq3A_2 : i1 to i32
    %cond3A_4 = arith.constant 0 : i32
    %cond3A_5 = arith.cmpi ne, %convert_element_type3A_3, %cond3A_4 : i32
    scf.if %cond3A_5 {
      "tpu.region"() ({
        %run_scoped3A = tpu.sem_alloc : memref<!tpu.dma_semaphore, #tpu.memory_space<semaphore_mem>>
        %dma_start3A = arith.constant 9360 : i32
        %dma_start3A_23 = arith.constant 0 : i32
        %dma_start3A_24 = tpu.memref_slice %arg10[%dma_start3A, %dma_start3A_23] : memref<10000x128xf32, #tpu.memory_space<vmem_shared>> -> memref<640x128xf32, #tpu.memory_space<vmem_shared>>
        %dma_start3A_25 = arith.constant 9360 : i32
        %dma_start3A_26 = arith.constant 0 : i32
        %dma_start3A_27 = tpu.memref_slice %arg5[%dma_start3A_25, %dma_start3A_26] : memref<10000x128xf32, #tpu.memory_space<hbm>> -> memref<640x128xf32, #tpu.memory_space<hbm>>
        tpu.enqueue_dma source(%dma_start3A_27 : memref<640x128xf32, #tpu.memory_space<hbm>>) target(%dma_start3A_24 : memref<640x128xf32, #tpu.memory_space<vmem_shared>>) target_semaphore(%run_scoped3A : memref<!tpu.dma_semaphore, #tpu.memory_space<semaphore_mem>>)
        %dma_wait3A = arith.constant 9360 : i32
        %dma_wait3A_28 = arith.constant 0 : i32
        %dma_wait3A_29 = tpu.memref_slice %arg10[%dma_wait3A, %dma_wait3A_28] : memref<10000x128xf32, #tpu.memory_space<vmem_shared>> -> memref<640x128xf32, #tpu.memory_space<vmem_shared>>
        %dma_wait3A_30 = arith.constant 9360 : i32
        %dma_wait3A_31 = arith.constant 0 : i32
        %dma_wait3A_32 = tpu.memref_slice %arg5[%dma_wait3A_30, %dma_wait3A_31] : memref<10000x128xf32, #tpu.memory_space<hbm>> -> memref<640x128xf32, #tpu.memory_space<hbm>>
        tpu.wait_dma2 semaphore(%run_scoped3A : memref<!tpu.dma_semaphore, #tpu.memory_space<semaphore_mem>>) src(%dma_wait3A_32 : memref<640x128xf32, #tpu.memory_space<hbm>>) dst(%dma_wait3A_29 : memref<640x128xf32, #tpu.memory_space<vmem_shared>>)
        tpu.yield
      }) : () -> ()
    } else {
    }
    %barrier3A = arith.constant 0 : index
    tpu.barrier barrier_id(%barrier3A)
    %mul3A = arith.constant 16 : i32
    %mul3A_6 = arith.muli %arg0, %mul3A : i32
    %add3A = arith.addi %mul3A_6, %arg1 : i32
    %scan3A = arith.constant 0 : i32
    %scan3A_7 = arith.constant 0 : i32
    %scan3A_8 = arith.constant 125 : i32
    %scan3A_9 = arith.addi %scan3A_7, %scan3A_8 : i32
    %scan3A_10 = arith.constant 1 : i32
    scf.for %scan3A_23 = %scan3A_7 to %scan3A_9 step %scan3A_10  : i32 {
      %mul3A_24 = arith.constant 10000 : i32
      %mul3A_25 = arith.muli %add3A, %mul3A_24 : i32
      %mul3A_26 = arith.constant 80 : i32
      %mul3A_27 = arith.muli %scan3A_23, %mul3A_26 : i32
      %add3A_28 = arith.addi %mul3A_25, %mul3A_27 : i32
      "tpu.region"() ({
        %run_scoped3A = tpu.sem_alloc : memref<!tpu.dma_semaphore, #tpu.memory_space<semaphore_mem>>
        %dma_start3A_33 = tpu.memref_slice %arg3[%add3A_28] : memref<320000xi32, #tpu.memory_space<hbm>> -> memref<80xi32, #tpu.memory_space<hbm>>
        %dma_start3A_34 = tpu.memref_slice %arg3[%add3A_28] : memref<320000xi32, #tpu.memory_space<hbm>> -> memref<80xi32, #tpu.memory_space<hbm>>
        tpu.enqueue_dma source(%dma_start3A_34 : memref<80xi32, #tpu.memory_space<hbm>>) target(%arg7 : memref<80xi32, #tpu.memory_space<vmem>>) target_semaphore(%run_scoped3A : memref<!tpu.dma_semaphore, #tpu.memory_space<semaphore_mem>>)
        %dma_wait3A_35 = tpu.memref_slice %arg3[%add3A_28] : memref<320000xi32, #tpu.memory_space<hbm>> -> memref<80xi32, #tpu.memory_space<hbm>>
        %dma_wait3A_36 = tpu.memref_slice %arg3[%add3A_28] : memref<320000xi32, #tpu.memory_space<hbm>> -> memref<80xi32, #tpu.memory_space<hbm>>
        tpu.wait_dma2 semaphore(%run_scoped3A : memref<!tpu.dma_semaphore, #tpu.memory_space<semaphore_mem>>) src(%dma_wait3A_36 : memref<80xi32, #tpu.memory_space<hbm>>) dst(%arg7 : memref<80xi32, #tpu.memory_space<vmem>>)
        tpu.yield
      }) : () -> ()
      "tpu.region"() ({
        %run_scoped3A = tpu.sem_alloc : memref<!tpu.dma_semaphore, #tpu.memory_space<semaphore_mem>>
        %dma_start3A_33 = tpu.memref_slice %arg4[%add3A_28] : memref<320000xi32, #tpu.memory_space<hbm>> -> memref<80xi32, #tpu.memory_space<hbm>>
        %dma_start3A_34 = tpu.memref_slice %arg4[%add3A_28] : memref<320000xi32, #tpu.memory_space<hbm>> -> memref<80xi32, #tpu.memory_space<hbm>>
        tpu.enqueue_dma source(%dma_start3A_34 : memref<80xi32, #tpu.memory_space<hbm>>) target(%arg8 : memref<80xi32, #tpu.memory_space<vmem>>) target_semaphore(%run_scoped3A : memref<!tpu.dma_semaphore, #tpu.memory_space<semaphore_mem>>)
        %dma_wait3A_35 = tpu.memref_slice %arg4[%add3A_28] : memref<320000xi32, #tpu.memory_space<hbm>> -> memref<80xi32, #tpu.memory_space<hbm>>
        %dma_wait3A_36 = tpu.memref_slice %arg4[%add3A_28] : memref<320000xi32, #tpu.memory_space<hbm>> -> memref<80xi32, #tpu.memory_space<hbm>>
        tpu.wait_dma2 semaphore(%run_scoped3A : memref<!tpu.dma_semaphore, #tpu.memory_space<semaphore_mem>>) src(%dma_wait3A_36 : memref<80xi32, #tpu.memory_space<hbm>>) dst(%arg8 : memref<80xi32, #tpu.memory_space<vmem>>)
        tpu.yield
      }) : () -> ()
      %dma_start3A = arith.constant 0 : i32
      %dma_start3A_29 = arith.constant 0 : i32
      %dma_start3A_30 = tpu.memref_slice %arg2[%dma_start3A, %dma_start3A_29] : memref<10000x128xf32, #tpu.memory_space<hbm>> -> memref<10000x128xf32, #tpu.memory_space<hbm>>
      tpu.enqueue_indirect_dma source(%dma_start3A_30 : memref<10000x128xf32, #tpu.memory_space<hbm>>) target(%arg9 : memref<80x128xf32, #tpu.memory_space<vmem>>) offsets(%arg7 : memref<80xi32, #tpu.memory_space<vmem>>) semaphore(%arg11 : memref<!tpu.dma_semaphore, #tpu.memory_space<semaphore_mem>>)
      %dma_wait3A = arith.constant 0 : i32
      %dma_wait3A_31 = arith.constant 0 : i32
      %dma_wait3A_32 = tpu.memref_slice %arg2[%dma_wait3A, %dma_wait3A_31] : memref<10000x128xf32, #tpu.memory_space<hbm>> -> memref<10000x128xf32, #tpu.memory_space<hbm>>
      tpu.wait_indirect_dma semaphore(%arg11 : memref<!tpu.dma_semaphore, #tpu.memory_space<semaphore_mem>>) src(%dma_wait3A_32 : memref<10000x128xf32, #tpu.memory_space<hbm>>) dst(%arg9 : memref<80x128xf32, #tpu.memory_space<vmem>>)
      "tpu.region"() ({
        %run_scoped3A = tpu.sem_alloc : memref<!tpu.dma_semaphore, #tpu.memory_space<semaphore_mem>>
        %dma_start3A_33 = arith.constant 0 : i32
        %dma_start3A_34 = arith.constant 0 : i32
        %dma_start3A_35 = tpu.memref_slice %arg10[%dma_start3A_33, %dma_start3A_34] : memref<10000x128xf32, #tpu.memory_space<vmem_shared>> -> memref<10000x128xf32, #tpu.memory_space<vmem_shared>>
        tpu.enqueue_indirect_dma source(%arg9 : memref<80x128xf32, #tpu.memory_space<vmem>>) target(%dma_start3A_35 : memref<10000x128xf32, #tpu.memory_space<vmem_shared>>) offsets(%arg8 : memref<80xi32, #tpu.memory_space<vmem>>) semaphore(%run_scoped3A : memref<!tpu.dma_semaphore, #tpu.memory_space<semaphore_mem>>) {add = true}
        %dma_wait3A_36 = arith.constant 0 : i32
        %dma_wait3A_37 = arith.constant 0 : i32
        %dma_wait3A_38 = tpu.memref_slice %arg10[%dma_wait3A_36, %dma_wait3A_37] : memref<10000x128xf32, #tpu.memory_space<vmem_shared>> -> memref<10000x128xf32, #tpu.memory_space<vmem_shared>>
        tpu.wait_indirect_dma semaphore(%run_scoped3A : memref<!tpu.dma_semaphore, #tpu.memory_space<semaphore_mem>>) src(%arg9 : memref<80x128xf32, #tpu.memory_space<vmem>>) dst(%dma_wait3A_38 : memref<10000x128xf32, #tpu.memory_space<vmem_shared>>)
        tpu.yield
      }) : () -> ()
    }
    %scan3A_11 = arith.constant 125 : i32
    %barrier3A_12 = arith.constant 0 : index
    tpu.barrier barrier_id(%barrier3A_12)
    %lt3A_13 = arith.constant 15 : i32
    %lt3A_14 = arith.cmpi slt, %arg1, %lt3A_13 : i32
    %convert_element_type3A_15 = arith.extui %lt3A_14 : i1 to i32
    %cond3A_16 = arith.constant 0 : i32
    %cond3A_17 = arith.cmpi ne, %convert_element_type3A_15, %cond3A_16 : i32
    scf.if %cond3A_17 {
      %mul3A_23 = arith.constant 624 : i32
      %mul3A_24 = arith.muli %arg1, %mul3A_23 : i32
      "tpu.region"() ({
        %run_scoped3A = tpu.sem_alloc : memref<!tpu.dma_semaphore, #tpu.memory_space<semaphore_mem>>
        %dma_start3A = arith.constant 0 : i32
        %dma_start3A_25 = arith.constant 0 : i32
        %dma_start3A_26 = tpu.memref_slice %arg6[%arg0, %dma_start3A, %dma_start3A_25] : memref<2x10000x128xf32, #tpu.memory_space<hbm>> -> memref<1x10000x128xf32, #tpu.memory_space<hbm>>
        %dma_start3A_27 = tpu.memref_squeeze %dma_start3A_26 : memref<1x10000x128xf32, #tpu.memory_space<hbm>> -> memref<10000x128xf32, #tpu.memory_space<hbm>>
        %dma_start3A_28 = arith.constant 0 : i32
        %dma_start3A_29 = tpu.memref_slice %dma_start3A_27[%mul3A_24, %dma_start3A_28] : memref<10000x128xf32, #tpu.memory_space<hbm>> -> memref<624x128xf32, #tpu.memory_space<hbm>>
        %dma_start3A_30 = arith.constant 0 : i32
        %dma_start3A_31 = tpu.memref_slice %arg10[%mul3A_24, %dma_start3A_30] : memref<10000x128xf32, #tpu.memory_space<vmem_shared>> -> memref<624x128xf32, #tpu.memory_space<vmem_shared>>
        tpu.enqueue_dma source(%dma_start3A_31 : memref<624x128xf32, #tpu.memory_space<vmem_shared>>) target(%dma_start3A_29 : memref<624x128xf32, #tpu.memory_space<hbm>>) target_semaphore(%run_scoped3A : memref<!tpu.dma_semaphore, #tpu.memory_space<semaphore_mem>>)
        %dma_wait3A = arith.constant 0 : i32
        %dma_wait3A_32 = arith.constant 0 : i32
        %dma_wait3A_33 = tpu.memref_slice %arg6[%arg0, %dma_wait3A, %dma_wait3A_32] : memref<2x10000x128xf32, #tpu.memory_space<hbm>> -> memref<1x10000x128xf32, #tpu.memory_space<hbm>>
        %dma_wait3A_34 = tpu.memref_squeeze %dma_wait3A_33 : memref<1x10000x128xf32, #tpu.memory_space<hbm>> -> memref<10000x128xf32, #tpu.memory_space<hbm>>
        %dma_wait3A_35 = arith.constant 0 : i32
        %dma_wait3A_36 = tpu.memref_slice %dma_wait3A_34[%mul3A_24, %dma_wait3A_35] : memref<10000x128xf32, #tpu.memory_space<hbm>> -> memref<624x128xf32, #tpu.memory_space<hbm>>
        %dma_wait3A_37 = arith.constant 0 : i32
        %dma_wait3A_38 = tpu.memref_slice %arg10[%mul3A_24, %dma_wait3A_37] : memref<10000x128xf32, #tpu.memory_space<vmem_shared>> -> memref<624x128xf32, #tpu.memory_space<vmem_shared>>
        tpu.wait_dma2 semaphore(%run_scoped3A : memref<!tpu.dma_semaphore, #tpu.memory_space<semaphore_mem>>) src(%dma_wait3A_38 : memref<624x128xf32, #tpu.memory_space<vmem_shared>>) dst(%dma_wait3A_36 : memref<624x128xf32, #tpu.memory_space<hbm>>)
        tpu.yield
      }) : () -> ()
    } else {
    }
    %eq3A_18 = arith.constant 15 : i32
    %eq3A_19 = arith.cmpi eq, %arg1, %eq3A_18 : i32
    %convert_element_type3A_20 = arith.extui %eq3A_19 : i1 to i32
    %cond3A_21 = arith.constant 0 : i32
    %cond3A_22 = arith.cmpi ne, %convert_element_type3A_20, %cond3A_21 : i32
    scf.if %cond3A_22 {
      "tpu.region"() ({
        %run_scoped3A = tpu.sem_alloc : memref<!tpu.dma_semaphore, #tpu.memory_space<semaphore_mem>>
        %dma_start3A = arith.constant 0 : i32
        %dma_start3A_23 = arith.constant 0 : i32
        %dma_start3A_24 = tpu.memref_slice %arg6[%arg0, %dma_start3A, %dma_start3A_23] : memref<2x10000x128xf32, #tpu.memory_space<hbm>> -> memref<1x10000x128xf32, #tpu.memory_space<hbm>>
        %dma_start3A_25 = tpu.memref_squeeze %dma_start3A_24 : memref<1x10000x128xf32, #tpu.memory_space<hbm>> -> memref<10000x128xf32, #tpu.memory_space<hbm>>
        %dma_start3A_26 = arith.constant 9360 : i32
        %dma_start3A_27 = arith.constant 0 : i32
        %dma_start3A_28 = tpu.memref_slice %dma_start3A_25[%dma_start3A_26, %dma_start3A_27] : memref<10000x128xf32, #tpu.memory_space<hbm>> -> memref<640x128xf32, #tpu.memory_space<hbm>>
        %dma_start3A_29 = arith.constant 9360 : i32
        %dma_start3A_30 = arith.constant 0 : i32
        %dma_start3A_31 = tpu.memref_slice %arg10[%dma_start3A_29, %dma_start3A_30] : memref<10000x128xf32, #tpu.memory_space<vmem_shared>> -> memref<640x128xf32, #tpu.memory_space<vmem_shared>>
        tpu.enqueue_dma source(%dma_start3A_31 : memref<640x128xf32, #tpu.memory_space<vmem_shared>>) target(%dma_start3A_28 : memref<640x128xf32, #tpu.memory_space<hbm>>) target_semaphore(%run_scoped3A : memref<!tpu.dma_semaphore, #tpu.memory_space<semaphore_mem>>)
        %dma_wait3A = arith.constant 0 : i32
        %dma_wait3A_32 = arith.constant 0 : i32
        %dma_wait3A_33 = tpu.memref_slice %arg6[%arg0, %dma_wait3A, %dma_wait3A_32] : memref<2x10000x128xf32, #tpu.memory_space<hbm>> -> memref<1x10000x128xf32, #tpu.memory_space<hbm>>
        %dma_wait3A_34 = tpu.memref_squeeze %dma_wait3A_33 : memref<1x10000x128xf32, #tpu.memory_space<hbm>> -> memref<10000x128xf32, #tpu.memory_space<hbm>>
        %dma_wait3A_35 = arith.constant 9360 : i32
        %dma_wait3A_36 = arith.constant 0 : i32
        %dma_wait3A_37 = tpu.memref_slice %dma_wait3A_34[%dma_wait3A_35, %dma_wait3A_36] : memref<10000x128xf32, #tpu.memory_space<hbm>> -> memref<640x128xf32, #tpu.memory_space<hbm>>
        %dma_wait3A_38 = arith.constant 9360 : i32
        %dma_wait3A_39 = arith.constant 0 : i32
        %dma_wait3A_40 = tpu.memref_slice %arg10[%dma_wait3A_38, %dma_wait3A_39] : memref<10000x128xf32, #tpu.memory_space<vmem_shared>> -> memref<640x128xf32, #tpu.memory_space<vmem_shared>>
        tpu.wait_dma2 semaphore(%run_scoped3A : memref<!tpu.dma_semaphore, #tpu.memory_space<semaphore_mem>>) src(%dma_wait3A_40 : memref<640x128xf32, #tpu.memory_space<vmem_shared>>) dst(%dma_wait3A_37 : memref<640x128xf32, #tpu.memory_space<hbm>>)
        tpu.yield
      }) : () -> ()
    } else {
    }
    return
  }
}

#map = affine_map<(d0, d1) -> (0)>
#map1 = affine_map<(d0, d1) -> (0, 0)>
module attributes {stable_mosaic.version = 14 : i64} {
  func.func @_sc_deg(%arg0: i32, %arg1: i32, %arg2: memref<320000xi32, #tpu.memory_space<hbm>>, %arg3: memref<10000xf32, #tpu.memory_space<hbm>>, %arg4: memref<2x10000xf32, #tpu.memory_space<hbm>>, %arg5: memref<80xi32, #tpu.memory_space<vmem>>, %arg6: memref<80xf32, #tpu.memory_space<vmem>>, %arg7: memref<10000xf32, #tpu.memory_space<vmem_shared>>) attributes {dimension_semantics = [#tpu.dimension_semantics<core_parallel>, #tpu.dimension_semantics<subcore_parallel>], iteration_bounds = array<i64: 2, 16>, scalar_prefetch = 0 : i64, scratch_operands = 3 : i64, tpu.core_type = #tpu.core_type<sc_vector_subcore>, window_params = [{transform_indices = #map}, {transform_indices = #map}, {transform_indices = #map1}]} {
    %broadcast_in_dim3A = arith.constant 1.000000e+00 : f32
    %broadcast_in_dim3A_0 = vector.broadcast %broadcast_in_dim3A : f32 to vector<16xf32>
    %swap3A = arith.constant 0 : index
    %swap3A_1 = tpu.vector_load %arg6[%swap3A] {strides = array<i32>} : memref<80xf32, #tpu.memory_space<vmem>>, vector<16xf32>,
    %swap3A_2 = vector.shape_cast %swap3A_1 : vector<16xf32> to vector<16xf32>
    %swap3A_3 = vector.shape_cast %broadcast_in_dim3A_0 : vector<16xf32> to vector<16xf32>
    tpu.vector_store %arg6[%swap3A], %swap3A_3 {strides = array<i32>} : memref<80xf32, #tpu.memory_space<vmem>>, vector<16xf32>,
    %broadcast_in_dim3A_4 = arith.constant 1.000000e+00 : f32
    %broadcast_in_dim3A_5 = vector.broadcast %broadcast_in_dim3A_4 : f32 to vector<16xf32>
    %swap3A_6 = arith.constant 16 : index
    %swap3A_7 = tpu.vector_load %arg6[%swap3A_6] {strides = array<i32>} : memref<80xf32, #tpu.memory_space<vmem>>, vector<16xf32>,
    %swap3A_8 = vector.shape_cast %swap3A_7 : vector<16xf32> to vector<16xf32>
    %swap3A_9 = vector.shape_cast %broadcast_in_dim3A_5 : vector<16xf32> to vector<16xf32>
    tpu.vector_store %arg6[%swap3A_6], %swap3A_9 {strides = array<i32>} : memref<80xf32, #tpu.memory_space<vmem>>, vector<16xf32>,
    %broadcast_in_dim3A_10 = arith.constant 1.000000e+00 : f32
    %broadcast_in_dim3A_11 = vector.broadcast %broadcast_in_dim3A_10 : f32 to vector<16xf32>
    %swap3A_12 = arith.constant 32 : index
    %swap3A_13 = tpu.vector_load %arg6[%swap3A_12] {strides = array<i32>} : memref<80xf32, #tpu.memory_space<vmem>>, vector<16xf32>,
    %swap3A_14 = vector.shape_cast %swap3A_13 : vector<16xf32> to vector<16xf32>
    %swap3A_15 = vector.shape_cast %broadcast_in_dim3A_11 : vector<16xf32> to vector<16xf32>
    tpu.vector_store %arg6[%swap3A_12], %swap3A_15 {strides = array<i32>} : memref<80xf32, #tpu.memory_space<vmem>>, vector<16xf32>,
    %broadcast_in_dim3A_16 = arith.constant 1.000000e+00 : f32
    %broadcast_in_dim3A_17 = vector.broadcast %broadcast_in_dim3A_16 : f32 to vector<16xf32>
    %swap3A_18 = arith.constant 48 : index
    %swap3A_19 = tpu.vector_load %arg6[%swap3A_18] {strides = array<i32>} : memref<80xf32, #tpu.memory_space<vmem>>, vector<16xf32>,
    %swap3A_20 = vector.shape_cast %swap3A_19 : vector<16xf32> to vector<16xf32>
    %swap3A_21 = vector.shape_cast %broadcast_in_dim3A_17 : vector<16xf32> to vector<16xf32>
    tpu.vector_store %arg6[%swap3A_18], %swap3A_21 {strides = array<i32>} : memref<80xf32, #tpu.memory_space<vmem>>, vector<16xf32>,
    %broadcast_in_dim3A_22 = arith.constant 1.000000e+00 : f32
    %broadcast_in_dim3A_23 = vector.broadcast %broadcast_in_dim3A_22 : f32 to vector<16xf32>
    %swap3A_24 = arith.constant 64 : index
    %swap3A_25 = tpu.vector_load %arg6[%swap3A_24] {strides = array<i32>} : memref<80xf32, #tpu.memory_space<vmem>>, vector<16xf32>,
    %swap3A_26 = vector.shape_cast %swap3A_25 : vector<16xf32> to vector<16xf32>
    %swap3A_27 = vector.shape_cast %broadcast_in_dim3A_23 : vector<16xf32> to vector<16xf32>
    tpu.vector_store %arg6[%swap3A_24], %swap3A_27 {strides = array<i32>} : memref<80xf32, #tpu.memory_space<vmem>>, vector<16xf32>,
    %eq3A = arith.constant 0 : i32
    %eq3A_28 = arith.cmpi eq, %arg1, %eq3A : i32
    %convert_element_type3A = arith.extui %eq3A_28 : i1 to i32
    %cond3A = arith.constant 0 : i32
    %cond3A_29 = arith.cmpi ne, %convert_element_type3A, %cond3A : i32
    scf.if %cond3A_29 {
      "tpu.region"() ({
        %run_scoped3A = tpu.sem_alloc : memref<!tpu.dma_semaphore, #tpu.memory_space<semaphore_mem>>
        tpu.enqueue_dma source(%arg3 : memref<10000xf32, #tpu.memory_space<hbm>>) target(%arg7 : memref<10000xf32, #tpu.memory_space<vmem_shared>>) target_semaphore(%run_scoped3A : memref<!tpu.dma_semaphore, #tpu.memory_space<semaphore_mem>>)
        tpu.wait_dma2 semaphore(%run_scoped3A : memref<!tpu.dma_semaphore, #tpu.memory_space<semaphore_mem>>) src(%arg3 : memref<10000xf32, #tpu.memory_space<hbm>>) dst(%arg7 : memref<10000xf32, #tpu.memory_space<vmem_shared>>)
        tpu.yield
      }) : () -> ()
    } else {
    }
    %barrier3A = arith.constant 0 : index
    tpu.barrier barrier_id(%barrier3A)
    %mul3A = arith.constant 16 : i32
    %mul3A_30 = arith.muli %arg0, %mul3A : i32
    %add3A = arith.addi %mul3A_30, %arg1 : i32
    %scan3A = arith.constant 0 : i32
    %scan3A_31 = arith.constant 0 : i32
    %scan3A_32 = arith.constant 125 : i32
    %scan3A_33 = arith.addi %scan3A_31, %scan3A_32 : i32
    %scan3A_34 = arith.constant 1 : i32
    scf.for %scan3A_42 = %scan3A_31 to %scan3A_33 step %scan3A_34  : i32 {
      %mul3A_43 = arith.constant 10000 : i32
      %mul3A_44 = arith.muli %add3A, %mul3A_43 : i32
      %mul3A_45 = arith.constant 80 : i32
      %mul3A_46 = arith.muli %scan3A_42, %mul3A_45 : i32
      %add3A_47 = arith.addi %mul3A_44, %mul3A_46 : i32
      "tpu.region"() ({
        %run_scoped3A = tpu.sem_alloc : memref<!tpu.dma_semaphore, #tpu.memory_space<semaphore_mem>>
        %dma_start3A = tpu.memref_slice %arg2[%add3A_47] : memref<320000xi32, #tpu.memory_space<hbm>> -> memref<80xi32, #tpu.memory_space<hbm>>
        %dma_start3A_48 = tpu.memref_slice %arg2[%add3A_47] : memref<320000xi32, #tpu.memory_space<hbm>> -> memref<80xi32, #tpu.memory_space<hbm>>
        tpu.enqueue_dma source(%dma_start3A_48 : memref<80xi32, #tpu.memory_space<hbm>>) target(%arg5 : memref<80xi32, #tpu.memory_space<vmem>>) target_semaphore(%run_scoped3A : memref<!tpu.dma_semaphore, #tpu.memory_space<semaphore_mem>>)
        %dma_wait3A = tpu.memref_slice %arg2[%add3A_47] : memref<320000xi32, #tpu.memory_space<hbm>> -> memref<80xi32, #tpu.memory_space<hbm>>
        %dma_wait3A_49 = tpu.memref_slice %arg2[%add3A_47] : memref<320000xi32, #tpu.memory_space<hbm>> -> memref<80xi32, #tpu.memory_space<hbm>>
        tpu.wait_dma2 semaphore(%run_scoped3A : memref<!tpu.dma_semaphore, #tpu.memory_space<semaphore_mem>>) src(%dma_wait3A_49 : memref<80xi32, #tpu.memory_space<hbm>>) dst(%arg5 : memref<80xi32, #tpu.memory_space<vmem>>)
        tpu.yield
      }) : () -> ()
      "tpu.region"() ({
        %run_scoped3A = tpu.sem_alloc : memref<!tpu.dma_semaphore, #tpu.memory_space<semaphore_mem>>
        %dma_start3A = arith.constant 0 : i32
        %dma_start3A_48 = tpu.memref_slice %arg7[%dma_start3A] : memref<10000xf32, #tpu.memory_space<vmem_shared>> -> memref<10000xf32, #tpu.memory_space<vmem_shared>>
        tpu.enqueue_indirect_dma source(%arg6 : memref<80xf32, #tpu.memory_space<vmem>>) target(%dma_start3A_48 : memref<10000xf32, #tpu.memory_space<vmem_shared>>) offsets(%arg5 : memref<80xi32, #tpu.memory_space<vmem>>) semaphore(%run_scoped3A : memref<!tpu.dma_semaphore, #tpu.memory_space<semaphore_mem>>) {add = true}
        %dma_wait3A = arith.constant 0 : i32
        %dma_wait3A_49 = tpu.memref_slice %arg7[%dma_wait3A] : memref<10000xf32, #tpu.memory_space<vmem_shared>> -> memref<10000xf32, #tpu.memory_space<vmem_shared>>
        tpu.wait_indirect_dma semaphore(%run_scoped3A : memref<!tpu.dma_semaphore, #tpu.memory_space<semaphore_mem>>) src(%arg6 : memref<80xf32, #tpu.memory_space<vmem>>) dst(%dma_wait3A_49 : memref<10000xf32, #tpu.memory_space<vmem_shared>>)
        tpu.yield
      }) : () -> ()
    }
    %scan3A_35 = arith.constant 125 : i32
    %barrier3A_36 = arith.constant 0 : index
    tpu.barrier barrier_id(%barrier3A_36)
    %eq3A_37 = arith.constant 0 : i32
    %eq3A_38 = arith.cmpi eq, %arg1, %eq3A_37 : i32
    %convert_element_type3A_39 = arith.extui %eq3A_38 : i1 to i32
    %cond3A_40 = arith.constant 0 : i32
    %cond3A_41 = arith.cmpi ne, %convert_element_type3A_39, %cond3A_40 : i32
    scf.if %cond3A_41 {
      "tpu.region"() ({
        %run_scoped3A = tpu.sem_alloc : memref<!tpu.dma_semaphore, #tpu.memory_space<semaphore_mem>>
        %dma_start3A = arith.constant 0 : i32
        %dma_start3A_42 = tpu.memref_slice %arg4[%arg0, %dma_start3A] : memref<2x10000xf32, #tpu.memory_space<hbm>> -> memref<1x10000xf32, #tpu.memory_space<hbm>>
        %dma_start3A_43 = tpu.memref_squeeze %dma_start3A_42 : memref<1x10000xf32, #tpu.memory_space<hbm>> -> memref<10000xf32, #tpu.memory_space<hbm>>
        tpu.enqueue_dma source(%arg7 : memref<10000xf32, #tpu.memory_space<vmem_shared>>) target(%dma_start3A_43 : memref<10000xf32, #tpu.memory_space<hbm>>) target_semaphore(%run_scoped3A : memref<!tpu.dma_semaphore, #tpu.memory_space<semaphore_mem>>)
        %dma_wait3A = arith.constant 0 : i32
        %dma_wait3A_44 = tpu.memref_slice %arg4[%arg0, %dma_wait3A] : memref<2x10000xf32, #tpu.memory_space<hbm>> -> memref<1x10000xf32, #tpu.memory_space<hbm>>
        %dma_wait3A_45 = tpu.memref_squeeze %dma_wait3A_44 : memref<1x10000xf32, #tpu.memory_space<hbm>> -> memref<10000xf32, #tpu.memory_space<hbm>>
        tpu.wait_dma2 semaphore(%run_scoped3A : memref<!tpu.dma_semaphore, #tpu.memory_space<semaphore_mem>>) src(%arg7 : memref<10000xf32, #tpu.memory_space<vmem_shared>>) dst(%dma_wait3A_45 : memref<10000xf32, #tpu.memory_space<hbm>>)
        tpu.yield
      }) : () -> ()
    } else {
    }
    return
  }
}

#map = affine_map<(d0, d1) -> (0, 0)>
#map1 = affine_map<(d0, d1) -> (0)>
#map2 = affine_map<(d0, d1) -> (0, 0, 0)>
module attributes {stable_mosaic.version = 14 : i64} {
  func.func @_sc_agg(%arg0: i32, %arg1: i32, %arg2: memref<10000x128xf32, #tpu.memory_space<hbm>>, %arg3: memref<320000xi32, #tpu.memory_space<hbm>>, %arg4: memref<320000xi32, #tpu.memory_space<hbm>>, %arg5: memref<10000x128xf32, #tpu.memory_space<hbm>>, %arg6: memref<2x10000x128xf32, #tpu.memory_space<hbm>>, %arg7: memref<80xi32, #tpu.memory_space<vmem>>, %arg8: memref<80xi32, #tpu.memory_space<vmem>>, %arg9: memref<80x128xf32, #tpu.memory_space<vmem>>, %arg10: memref<10000x128xf32, #tpu.memory_space<vmem_shared>>, %arg11: memref<!tpu.dma_semaphore, #tpu.memory_space<semaphore_mem>>) attributes {dimension_semantics = [#tpu.dimension_semantics<core_parallel>, #tpu.dimension_semantics<subcore_parallel>], iteration_bounds = array<i64: 2, 16>, scalar_prefetch = 0 : i64, scratch_operands = 5 : i64, tpu.core_type = #tpu.core_type<sc_vector_subcore>, window_params = [{transform_indices = #map}, {transform_indices = #map1}, {transform_indices = #map1}, {transform_indices = #map}, {transform_indices = #map2}]} {
    %lt3A = arith.constant 15 : i32
    %lt3A_0 = arith.cmpi slt, %arg1, %lt3A : i32
    %convert_element_type3A = arith.extui %lt3A_0 : i1 to i32
    %cond3A = arith.constant 0 : i32
    %cond3A_1 = arith.cmpi ne, %convert_element_type3A, %cond3A : i32
    scf.if %cond3A_1 {
      %mul3A_23 = arith.constant 624 : i32
      %mul3A_24 = arith.muli %arg1, %mul3A_23 : i32
      "tpu.region"() ({
        %run_scoped3A = tpu.sem_alloc : memref<!tpu.dma_semaphore, #tpu.memory_space<semaphore_mem>>
        %dma_start3A = arith.constant 0 : i32
        %dma_start3A_25 = tpu.memref_slice %arg10[%mul3A_24, %dma_start3A] : memref<10000x128xf32, #tpu.memory_space<vmem_shared>> -> memref<624x128xf32, #tpu.memory_space<vmem_shared>>
        %dma_start3A_26 = arith.constant 0 : i32
        %dma_start3A_27 = tpu.memref_slice %arg5[%mul3A_24, %dma_start3A_26] : memref<10000x128xf32, #tpu.memory_space<hbm>> -> memref<624x128xf32, #tpu.memory_space<hbm>>
        tpu.enqueue_dma source(%dma_start3A_27 : memref<624x128xf32, #tpu.memory_space<hbm>>) target(%dma_start3A_25 : memref<624x128xf32, #tpu.memory_space<vmem_shared>>) target_semaphore(%run_scoped3A : memref<!tpu.dma_semaphore, #tpu.memory_space<semaphore_mem>>)
        %dma_wait3A = arith.constant 0 : i32
        %dma_wait3A_28 = tpu.memref_slice %arg10[%mul3A_24, %dma_wait3A] : memref<10000x128xf32, #tpu.memory_space<vmem_shared>> -> memref<624x128xf32, #tpu.memory_space<vmem_shared>>
        %dma_wait3A_29 = arith.constant 0 : i32
        %dma_wait3A_30 = tpu.memref_slice %arg5[%mul3A_24, %dma_wait3A_29] : memref<10000x128xf32, #tpu.memory_space<hbm>> -> memref<624x128xf32, #tpu.memory_space<hbm>>
        tpu.wait_dma2 semaphore(%run_scoped3A : memref<!tpu.dma_semaphore, #tpu.memory_space<semaphore_mem>>) src(%dma_wait3A_30 : memref<624x128xf32, #tpu.memory_space<hbm>>) dst(%dma_wait3A_28 : memref<624x128xf32, #tpu.memory_space<vmem_shared>>)
        tpu.yield
      }) : () -> ()
    } else {
    }
    %eq3A = arith.constant 15 : i32
    %eq3A_2 = arith.cmpi eq, %arg1, %eq3A : i32
    %convert_element_type3A_3 = arith.extui %eq3A_2 : i1 to i32
    %cond3A_4 = arith.constant 0 : i32
    %cond3A_5 = arith.cmpi ne, %convert_element_type3A_3, %cond3A_4 : i32
    scf.if %cond3A_5 {
      "tpu.region"() ({
        %run_scoped3A = tpu.sem_alloc : memref<!tpu.dma_semaphore, #tpu.memory_space<semaphore_mem>>
        %dma_start3A = arith.constant 9360 : i32
        %dma_start3A_23 = arith.constant 0 : i32
        %dma_start3A_24 = tpu.memref_slice %arg10[%dma_start3A, %dma_start3A_23] : memref<10000x128xf32, #tpu.memory_space<vmem_shared>> -> memref<640x128xf32, #tpu.memory_space<vmem_shared>>
        %dma_start3A_25 = arith.constant 9360 : i32
        %dma_start3A_26 = arith.constant 0 : i32
        %dma_start3A_27 = tpu.memref_slice %arg5[%dma_start3A_25, %dma_start3A_26] : memref<10000x128xf32, #tpu.memory_space<hbm>> -> memref<640x128xf32, #tpu.memory_space<hbm>>
        tpu.enqueue_dma source(%dma_start3A_27 : memref<640x128xf32, #tpu.memory_space<hbm>>) target(%dma_start3A_24 : memref<640x128xf32, #tpu.memory_space<vmem_shared>>) target_semaphore(%run_scoped3A : memref<!tpu.dma_semaphore, #tpu.memory_space<semaphore_mem>>)
        %dma_wait3A = arith.constant 9360 : i32
        %dma_wait3A_28 = arith.constant 0 : i32
        %dma_wait3A_29 = tpu.memref_slice %arg10[%dma_wait3A, %dma_wait3A_28] : memref<10000x128xf32, #tpu.memory_space<vmem_shared>> -> memref<640x128xf32, #tpu.memory_space<vmem_shared>>
        %dma_wait3A_30 = arith.constant 9360 : i32
        %dma_wait3A_31 = arith.constant 0 : i32
        %dma_wait3A_32 = tpu.memref_slice %arg5[%dma_wait3A_30, %dma_wait3A_31] : memref<10000x128xf32, #tpu.memory_space<hbm>> -> memref<640x128xf32, #tpu.memory_space<hbm>>
        tpu.wait_dma2 semaphore(%run_scoped3A : memref<!tpu.dma_semaphore, #tpu.memory_space<semaphore_mem>>) src(%dma_wait3A_32 : memref<640x128xf32, #tpu.memory_space<hbm>>) dst(%dma_wait3A_29 : memref<640x128xf32, #tpu.memory_space<vmem_shared>>)
        tpu.yield
      }) : () -> ()
    } else {
    }
    %barrier3A = arith.constant 0 : index
    tpu.barrier barrier_id(%barrier3A)
    %mul3A = arith.constant 16 : i32
    %mul3A_6 = arith.muli %arg0, %mul3A : i32
    %add3A = arith.addi %mul3A_6, %arg1 : i32
    %scan3A = arith.constant 0 : i32
    %scan3A_7 = arith.constant 0 : i32
    %scan3A_8 = arith.constant 125 : i32
    %scan3A_9 = arith.addi %scan3A_7, %scan3A_8 : i32
    %scan3A_10 = arith.constant 1 : i32
    scf.for %scan3A_23 = %scan3A_7 to %scan3A_9 step %scan3A_10  : i32 {
      %mul3A_24 = arith.constant 10000 : i32
      %mul3A_25 = arith.muli %add3A, %mul3A_24 : i32
      %mul3A_26 = arith.constant 80 : i32
      %mul3A_27 = arith.muli %scan3A_23, %mul3A_26 : i32
      %add3A_28 = arith.addi %mul3A_25, %mul3A_27 : i32
      "tpu.region"() ({
        %run_scoped3A = tpu.sem_alloc : memref<!tpu.dma_semaphore, #tpu.memory_space<semaphore_mem>>
        %dma_start3A_33 = tpu.memref_slice %arg3[%add3A_28] : memref<320000xi32, #tpu.memory_space<hbm>> -> memref<80xi32, #tpu.memory_space<hbm>>
        %dma_start3A_34 = tpu.memref_slice %arg3[%add3A_28] : memref<320000xi32, #tpu.memory_space<hbm>> -> memref<80xi32, #tpu.memory_space<hbm>>
        tpu.enqueue_dma source(%dma_start3A_34 : memref<80xi32, #tpu.memory_space<hbm>>) target(%arg7 : memref<80xi32, #tpu.memory_space<vmem>>) target_semaphore(%run_scoped3A : memref<!tpu.dma_semaphore, #tpu.memory_space<semaphore_mem>>)
        %dma_wait3A_35 = tpu.memref_slice %arg3[%add3A_28] : memref<320000xi32, #tpu.memory_space<hbm>> -> memref<80xi32, #tpu.memory_space<hbm>>
        %dma_wait3A_36 = tpu.memref_slice %arg3[%add3A_28] : memref<320000xi32, #tpu.memory_space<hbm>> -> memref<80xi32, #tpu.memory_space<hbm>>
        tpu.wait_dma2 semaphore(%run_scoped3A : memref<!tpu.dma_semaphore, #tpu.memory_space<semaphore_mem>>) src(%dma_wait3A_36 : memref<80xi32, #tpu.memory_space<hbm>>) dst(%arg7 : memref<80xi32, #tpu.memory_space<vmem>>)
        tpu.yield
      }) : () -> ()
      "tpu.region"() ({
        %run_scoped3A = tpu.sem_alloc : memref<!tpu.dma_semaphore, #tpu.memory_space<semaphore_mem>>
        %dma_start3A_33 = tpu.memref_slice %arg4[%add3A_28] : memref<320000xi32, #tpu.memory_space<hbm>> -> memref<80xi32, #tpu.memory_space<hbm>>
        %dma_start3A_34 = tpu.memref_slice %arg4[%add3A_28] : memref<320000xi32, #tpu.memory_space<hbm>> -> memref<80xi32, #tpu.memory_space<hbm>>
        tpu.enqueue_dma source(%dma_start3A_34 : memref<80xi32, #tpu.memory_space<hbm>>) target(%arg8 : memref<80xi32, #tpu.memory_space<vmem>>) target_semaphore(%run_scoped3A : memref<!tpu.dma_semaphore, #tpu.memory_space<semaphore_mem>>)
        %dma_wait3A_35 = tpu.memref_slice %arg4[%add3A_28] : memref<320000xi32, #tpu.memory_space<hbm>> -> memref<80xi32, #tpu.memory_space<hbm>>
        %dma_wait3A_36 = tpu.memref_slice %arg4[%add3A_28] : memref<320000xi32, #tpu.memory_space<hbm>> -> memref<80xi32, #tpu.memory_space<hbm>>
        tpu.wait_dma2 semaphore(%run_scoped3A : memref<!tpu.dma_semaphore, #tpu.memory_space<semaphore_mem>>) src(%dma_wait3A_36 : memref<80xi32, #tpu.memory_space<hbm>>) dst(%arg8 : memref<80xi32, #tpu.memory_space<vmem>>)
        tpu.yield
      }) : () -> ()
      %dma_start3A = arith.constant 0 : i32
      %dma_start3A_29 = arith.constant 0 : i32
      %dma_start3A_30 = tpu.memref_slice %arg2[%dma_start3A, %dma_start3A_29] : memref<10000x128xf32, #tpu.memory_space<hbm>> -> memref<10000x128xf32, #tpu.memory_space<hbm>>
      tpu.enqueue_indirect_dma source(%dma_start3A_30 : memref<10000x128xf32, #tpu.memory_space<hbm>>) target(%arg9 : memref<80x128xf32, #tpu.memory_space<vmem>>) offsets(%arg7 : memref<80xi32, #tpu.memory_space<vmem>>) semaphore(%arg11 : memref<!tpu.dma_semaphore, #tpu.memory_space<semaphore_mem>>)
      %dma_wait3A = arith.constant 0 : i32
      %dma_wait3A_31 = arith.constant 0 : i32
      %dma_wait3A_32 = tpu.memref_slice %arg2[%dma_wait3A, %dma_wait3A_31] : memref<10000x128xf32, #tpu.memory_space<hbm>> -> memref<10000x128xf32, #tpu.memory_space<hbm>>
      tpu.wait_indirect_dma semaphore(%arg11 : memref<!tpu.dma_semaphore, #tpu.memory_space<semaphore_mem>>) src(%dma_wait3A_32 : memref<10000x128xf32, #tpu.memory_space<hbm>>) dst(%arg9 : memref<80x128xf32, #tpu.memory_space<vmem>>)
      "tpu.region"() ({
        %run_scoped3A = tpu.sem_alloc : memref<!tpu.dma_semaphore, #tpu.memory_space<semaphore_mem>>
        %dma_start3A_33 = arith.constant 0 : i32
        %dma_start3A_34 = arith.constant 0 : i32
        %dma_start3A_35 = tpu.memref_slice %arg10[%dma_start3A_33, %dma_start3A_34] : memref<10000x128xf32, #tpu.memory_space<vmem_shared>> -> memref<10000x128xf32, #tpu.memory_space<vmem_shared>>
        tpu.enqueue_indirect_dma source(%arg9 : memref<80x128xf32, #tpu.memory_space<vmem>>) target(%dma_start3A_35 : memref<10000x128xf32, #tpu.memory_space<vmem_shared>>) offsets(%arg8 : memref<80xi32, #tpu.memory_space<vmem>>) semaphore(%run_scoped3A : memref<!tpu.dma_semaphore, #tpu.memory_space<semaphore_mem>>) {add = true}
        %dma_wait3A_36 = arith.constant 0 : i32
        %dma_wait3A_37 = arith.constant 0 : i32
        %dma_wait3A_38 = tpu.memref_slice %arg10[%dma_wait3A_36, %dma_wait3A_37] : memref<10000x128xf32, #tpu.memory_space<vmem_shared>> -> memref<10000x128xf32, #tpu.memory_space<vmem_shared>>
        tpu.wait_indirect_dma semaphore(%run_scoped3A : memref<!tpu.dma_semaphore, #tpu.memory_space<semaphore_mem>>) src(%arg9 : memref<80x128xf32, #tpu.memory_space<vmem>>) dst(%dma_wait3A_38 : memref<10000x128xf32, #tpu.memory_space<vmem_shared>>)
        tpu.yield
      }) : () -> ()
    }
    %scan3A_11 = arith.constant 125 : i32
    %barrier3A_12 = arith.constant 0 : index
    tpu.barrier barrier_id(%barrier3A_12)
    %lt3A_13 = arith.constant 15 : i32
    %lt3A_14 = arith.cmpi slt, %arg1, %lt3A_13 : i32
    %convert_element_type3A_15 = arith.extui %lt3A_14 : i1 to i32
    %cond3A_16 = arith.constant 0 : i32
    %cond3A_17 = arith.cmpi ne, %convert_element_type3A_15, %cond3A_16 : i32
    scf.if %cond3A_17 {
      %mul3A_23 = arith.constant 624 : i32
      %mul3A_24 = arith.muli %arg1, %mul3A_23 : i32
      "tpu.region"() ({
        %run_scoped3A = tpu.sem_alloc : memref<!tpu.dma_semaphore, #tpu.memory_space<semaphore_mem>>
        %dma_start3A = arith.constant 0 : i32
        %dma_start3A_25 = arith.constant 0 : i32
        %dma_start3A_26 = tpu.memref_slice %arg6[%arg0, %dma_start3A, %dma_start3A_25] : memref<2x10000x128xf32, #tpu.memory_space<hbm>> -> memref<1x10000x128xf32, #tpu.memory_space<hbm>>
        %dma_start3A_27 = tpu.memref_squeeze %dma_start3A_26 : memref<1x10000x128xf32, #tpu.memory_space<hbm>> -> memref<10000x128xf32, #tpu.memory_space<hbm>>
        %dma_start3A_28 = arith.constant 0 : i32
        %dma_start3A_29 = tpu.memref_slice %dma_start3A_27[%mul3A_24, %dma_start3A_28] : memref<10000x128xf32, #tpu.memory_space<hbm>> -> memref<624x128xf32, #tpu.memory_space<hbm>>
        %dma_start3A_30 = arith.constant 0 : i32
        %dma_start3A_31 = tpu.memref_slice %arg10[%mul3A_24, %dma_start3A_30] : memref<10000x128xf32, #tpu.memory_space<vmem_shared>> -> memref<624x128xf32, #tpu.memory_space<vmem_shared>>
        tpu.enqueue_dma source(%dma_start3A_31 : memref<624x128xf32, #tpu.memory_space<vmem_shared>>) target(%dma_start3A_29 : memref<624x128xf32, #tpu.memory_space<hbm>>) target_semaphore(%run_scoped3A : memref<!tpu.dma_semaphore, #tpu.memory_space<semaphore_mem>>)
        %dma_wait3A = arith.constant 0 : i32
        %dma_wait3A_32 = arith.constant 0 : i32
        %dma_wait3A_33 = tpu.memref_slice %arg6[%arg0, %dma_wait3A, %dma_wait3A_32] : memref<2x10000x128xf32, #tpu.memory_space<hbm>> -> memref<1x10000x128xf32, #tpu.memory_space<hbm>>
        %dma_wait3A_34 = tpu.memref_squeeze %dma_wait3A_33 : memref<1x10000x128xf32, #tpu.memory_space<hbm>> -> memref<10000x128xf32, #tpu.memory_space<hbm>>
        %dma_wait3A_35 = arith.constant 0 : i32
        %dma_wait3A_36 = tpu.memref_slice %dma_wait3A_34[%mul3A_24, %dma_wait3A_35] : memref<10000x128xf32, #tpu.memory_space<hbm>> -> memref<624x128xf32, #tpu.memory_space<hbm>>
        %dma_wait3A_37 = arith.constant 0 : i32
        %dma_wait3A_38 = tpu.memref_slice %arg10[%mul3A_24, %dma_wait3A_37] : memref<10000x128xf32, #tpu.memory_space<vmem_shared>> -> memref<624x128xf32, #tpu.memory_space<vmem_shared>>
        tpu.wait_dma2 semaphore(%run_scoped3A : memref<!tpu.dma_semaphore, #tpu.memory_space<semaphore_mem>>) src(%dma_wait3A_38 : memref<624x128xf32, #tpu.memory_space<vmem_shared>>) dst(%dma_wait3A_36 : memref<624x128xf32, #tpu.memory_space<hbm>>)
        tpu.yield
      }) : () -> ()
    } else {
    }
    %eq3A_18 = arith.constant 15 : i32
    %eq3A_19 = arith.cmpi eq, %arg1, %eq3A_18 : i32
    %convert_element_type3A_20 = arith.extui %eq3A_19 : i1 to i32
    %cond3A_21 = arith.constant 0 : i32
    %cond3A_22 = arith.cmpi ne, %convert_element_type3A_20, %cond3A_21 : i32
    scf.if %cond3A_22 {
      "tpu.region"() ({
        %run_scoped3A = tpu.sem_alloc : memref<!tpu.dma_semaphore, #tpu.memory_space<semaphore_mem>>
        %dma_start3A = arith.constant 0 : i32
        %dma_start3A_23 = arith.constant 0 : i32
        %dma_start3A_24 = tpu.memref_slice %arg6[%arg0, %dma_start3A, %dma_start3A_23] : memref<2x10000x128xf32, #tpu.memory_space<hbm>> -> memref<1x10000x128xf32, #tpu.memory_space<hbm>>
        %dma_start3A_25 = tpu.memref_squeeze %dma_start3A_24 : memref<1x10000x128xf32, #tpu.memory_space<hbm>> -> memref<10000x128xf32, #tpu.memory_space<hbm>>
        %dma_start3A_26 = arith.constant 9360 : i32
        %dma_start3A_27 = arith.constant 0 : i32
        %dma_start3A_28 = tpu.memref_slice %dma_start3A_25[%dma_start3A_26, %dma_start3A_27] : memref<10000x128xf32, #tpu.memory_space<hbm>> -> memref<640x128xf32, #tpu.memory_space<hbm>>
        %dma_start3A_29 = arith.constant 9360 : i32
        %dma_start3A_30 = arith.constant 0 : i32
        %dma_start3A_31 = tpu.memref_slice %arg10[%dma_start3A_29, %dma_start3A_30] : memref<10000x128xf32, #tpu.memory_space<vmem_shared>> -> memref<640x128xf32, #tpu.memory_space<vmem_shared>>
        tpu.enqueue_dma source(%dma_start3A_31 : memref<640x128xf32, #tpu.memory_space<vmem_shared>>) target(%dma_start3A_28 : memref<640x128xf32, #tpu.memory_space<hbm>>) target_semaphore(%run_scoped3A : memref<!tpu.dma_semaphore, #tpu.memory_space<semaphore_mem>>)
        %dma_wait3A = arith.constant 0 : i32
        %dma_wait3A_32 = arith.constant 0 : i32
        %dma_wait3A_33 = tpu.memref_slice %arg6[%arg0, %dma_wait3A, %dma_wait3A_32] : memref<2x10000x128xf32, #tpu.memory_space<hbm>> -> memref<1x10000x128xf32, #tpu.memory_space<hbm>>
        %dma_wait3A_34 = tpu.memref_squeeze %dma_wait3A_33 : memref<1x10000x128xf32, #tpu.memory_space<hbm>> -> memref<10000x128xf32, #tpu.memory_space<hbm>>
        %dma_wait3A_35 = arith.constant 9360 : i32
        %dma_wait3A_36 = arith.constant 0 : i32
        %dma_wait3A_37 = tpu.memref_slice %dma_wait3A_34[%dma_wait3A_35, %dma_wait3A_36] : memref<10000x128xf32, #tpu.memory_space<hbm>> -> memref<640x128xf32, #tpu.memory_space<hbm>>
        %dma_wait3A_38 = arith.constant 9360 : i32
        %dma_wait3A_39 = arith.constant 0 : i32
        %dma_wait3A_40 = tpu.memref_slice %arg10[%dma_wait3A_38, %dma_wait3A_39] : memref<10000x128xf32, #tpu.memory_space<vmem_shared>> -> memref<640x128xf32, #tpu.memory_space<vmem_shared>>
        tpu.wait_dma2 semaphore(%run_scoped3A : memref<!tpu.dma_semaphore, #tpu.memory_space<semaphore_mem>>) src(%dma_wait3A_40 : memref<640x128xf32, #tpu.memory_space<vmem_shared>>) dst(%dma_wait3A_37 : memref<640x128xf32, #tpu.memory_space<hbm>>)
        tpu.yield
      }) : () -> ()
    } else {
    }
    return
  }
}

module attributes {stable_mosaic.version = 14 : i64} {
  func.func @_tc1_body(%arg0: memref<10000x128xf32, #tpu.memory_space<vmem>>, %arg1: memref<128x128xf32, #tpu.memory_space<vmem>>, %arg2: memref<2x10000x1xf32, #tpu.memory_space<vmem>>, %arg3: memref<10000x128xf32, #tpu.memory_space<vmem>>, %arg4: memref<10000x1xf32, #tpu.memory_space<vmem>>) attributes {dimension_semantics = [], scalar_prefetch = 0 : i64, scratch_operands = 0 : i64, tpu.core_type = #tpu.core_type<tc>} {
    %get3A = arith.constant 0 : index
    %get3A_0 = arith.constant 0 : index
    %get3A_1 = arith.constant 0 : index
    %get3A_2 = vector.load %arg2[%get3A, %get3A_0, %get3A_1] : memref<2x10000x1xf32, #tpu.memory_space<vmem>>, vector<1x10000x1xf32>
    %get3A_3 = vector.shape_cast %get3A_2 : vector<1x10000x1xf32> to vector<10000x1xf32>
    %get3A_4 = arith.constant 1 : index
    %get3A_5 = arith.constant 0 : index
    %get3A_6 = arith.constant 0 : index
    %get3A_7 = vector.load %arg2[%get3A_4, %get3A_5, %get3A_6] : memref<2x10000x1xf32, #tpu.memory_space<vmem>>, vector<1x10000x1xf32>
    %get3A_8 = vector.shape_cast %get3A_7 : vector<1x10000x1xf32> to vector<10000x1xf32>
    %add3A = arith.addf %get3A_3, %get3A_8 : vector<10000x1xf32>
    %add3A_9 = arith.constant 1.000000e+00 : f32
    %add3A_10 = vector.broadcast %add3A_9 : f32 to vector<10000x1xf32>
    %add3A_11 = arith.addf %add3A, %add3A_10 : vector<10000x1xf32>
    %rsqrt3A = math.rsqrt %add3A_11 : vector<10000x1xf32>
    %swap3A = arith.constant 0 : index
    %swap3A_12 = arith.constant 0 : index
    %swap3A_13 = vector.load %arg4[%swap3A, %swap3A_12] : memref<10000x1xf32, #tpu.memory_space<vmem>>, vector<10000x1xf32>
    tpu.vector_store %arg4[%swap3A, %swap3A_12], %rsqrt3A {strides = array<i32>} : memref<10000x1xf32, #tpu.memory_space<vmem>>, vector<10000x1xf32>,
    %get3A_14 = arith.constant 0 : index
    %get3A_15 = arith.constant 0 : index
    %get3A_16 = vector.load %arg0[%get3A_14, %get3A_15] : memref<10000x128xf32, #tpu.memory_space<vmem>>, vector<10000x128xf32>
    %get3A_17 = arith.constant 0 : index
    %get3A_18 = arith.constant 0 : index
    %get3A_19 = vector.load %arg1[%get3A_17, %get3A_18] : memref<128x128xf32, #tpu.memory_space<vmem>>, vector<128x128xf32>
    %dot_general3A = arith.constant dense<0.000000e+00> : vector<10000x128xf32>
    %dot_general3A_20 = tpu.matmul %get3A_16, %get3A_19, %dot_general3A {dimension_numbers = #tpu.dot_dimension_numbers<[1], [0], [0], [1], [0, 0, 1, 1], [], []>, transpose_lhs_hint = false} : vector<10000x128xf32>, vector<128x128xf32>, vector<10000x128xf32> -> vector<10000x128xf32>
    %mul3A = vector.broadcast %rsqrt3A : vector<10000x1xf32> to vector<10000x128xf32>
    %mul3A_21 = arith.mulf %mul3A, %dot_general3A_20 : vector<10000x128xf32>
    %swap3A_22 = arith.constant 0 : index
    %swap3A_23 = arith.constant 0 : index
    %swap3A_24 = vector.load %arg3[%swap3A_22, %swap3A_23] : memref<10000x128xf32, #tpu.memory_space<vmem>>, vector<10000x128xf32>
    tpu.vector_store %arg3[%swap3A_22, %swap3A_23], %mul3A_21 {strides = array<i32>} : memref<10000x128xf32, #tpu.memory_space<vmem>>, vector<10000x128xf32>,
    return
  }
}

module attributes {stable_mosaic.version = 14 : i64} {
  func.func @_tc2_body(%arg0: memref<2x10000x128xf32, #tpu.memory_space<vmem>>, %arg1: memref<10000x128xf32, #tpu.memory_space<vmem>>, %arg2: memref<10000x1xf32, #tpu.memory_space<vmem>>, %arg3: memref<1x128xf32, #tpu.memory_space<vmem>>, %arg4: memref<128x128xf32, #tpu.memory_space<vmem>>, %arg5: memref<10000x128xf32, #tpu.memory_space<vmem>>) attributes {dimension_semantics = [], scalar_prefetch = 0 : i64, scratch_operands = 0 : i64, tpu.core_type = #tpu.core_type<tc>} {
    %get3A = arith.constant 0 : index
    %get3A_0 = arith.constant 0 : index
    %get3A_1 = vector.load %arg2[%get3A, %get3A_0] : memref<10000x1xf32, #tpu.memory_space<vmem>>, vector<10000x1xf32>
    %get3A_2 = arith.constant 0 : index
    %get3A_3 = arith.constant 0 : index
    %get3A_4 = arith.constant 0 : index
    %get3A_5 = vector.load %arg0[%get3A_2, %get3A_3, %get3A_4] : memref<2x10000x128xf32, #tpu.memory_space<vmem>>, vector<1x10000x128xf32>
    %get3A_6 = vector.shape_cast %get3A_5 : vector<1x10000x128xf32> to vector<10000x128xf32>
    %get3A_7 = arith.constant 1 : index
    %get3A_8 = arith.constant 0 : index
    %get3A_9 = arith.constant 0 : index
    %get3A_10 = vector.load %arg0[%get3A_7, %get3A_8, %get3A_9] : memref<2x10000x128xf32, #tpu.memory_space<vmem>>, vector<1x10000x128xf32>
    %get3A_11 = vector.shape_cast %get3A_10 : vector<1x10000x128xf32> to vector<10000x128xf32>
    %add3A = arith.addf %get3A_6, %get3A_11 : vector<10000x128xf32>
    %get3A_12 = arith.constant 0 : index
    %get3A_13 = arith.constant 0 : index
    %get3A_14 = vector.load %arg1[%get3A_12, %get3A_13] : memref<10000x128xf32, #tpu.memory_space<vmem>>, vector<10000x128xf32>
    %add3A_15 = arith.addf %add3A, %get3A_14 : vector<10000x128xf32>
    %mul3A = vector.broadcast %get3A_1 : vector<10000x1xf32> to vector<10000x128xf32>
    %mul3A_16 = arith.mulf %mul3A, %add3A_15 : vector<10000x128xf32>
    %get3A_17 = arith.constant 0 : index
    %get3A_18 = arith.constant 0 : index
    %get3A_19 = vector.load %arg3[%get3A_17, %get3A_18] : memref<1x128xf32, #tpu.memory_space<vmem>>, vector<1x128xf32>
    %add3A_20 = vector.broadcast %get3A_19 : vector<1x128xf32> to vector<10000x128xf32>
    %add3A_21 = arith.addf %mul3A_16, %add3A_20 : vector<10000x128xf32>
    %max3A = arith.constant 0.000000e+00 : f32
    %max3A_22 = vector.broadcast %max3A : f32 to vector<10000x128xf32>
    %max3A_23 = arith.maximumf %add3A_21, %max3A_22 : vector<10000x128xf32>
    %get3A_24 = arith.constant 0 : index
    %get3A_25 = arith.constant 0 : index
    %get3A_26 = vector.load %arg4[%get3A_24, %get3A_25] : memref<128x128xf32, #tpu.memory_space<vmem>>, vector<128x128xf32>
    %dot_general3A = arith.constant dense<0.000000e+00> : vector<10000x128xf32>
    %dot_general3A_27 = tpu.matmul %max3A_23, %get3A_26, %dot_general3A {dimension_numbers = #tpu.dot_dimension_numbers<[1], [0], [0], [1], [0, 0, 1, 1], [], []>, transpose_lhs_hint = false} : vector<10000x128xf32>, vector<128x128xf32>, vector<10000x128xf32> -> vector<10000x128xf32>
    %mul3A_28 = vector.broadcast %get3A_1 : vector<10000x1xf32> to vector<10000x128xf32>
    %mul3A_29 = arith.mulf %mul3A_28, %dot_general3A_27 : vector<10000x128xf32>
    %swap3A = arith.constant 0 : index
    %swap3A_30 = arith.constant 0 : index
    %swap3A_31 = vector.load %arg5[%swap3A, %swap3A_30] : memref<10000x128xf32, #tpu.memory_space<vmem>>, vector<10000x128xf32>
    tpu.vector_store %arg5[%swap3A, %swap3A_30], %mul3A_29 {strides = array<i32>} : memref<10000x128xf32, #tpu.memory_space<vmem>>, vector<10000x128xf32>,
    return
  }
}

module attributes {stable_mosaic.version = 14 : i64} {
  func.func @_tc3_body(%arg0: memref<2x10000x128xf32, #tpu.memory_space<vmem>>, %arg1: memref<10000x128xf32, #tpu.memory_space<vmem>>, %arg2: memref<10000x1xf32, #tpu.memory_space<vmem>>, %arg3: memref<1x128xf32, #tpu.memory_space<vmem>>, %arg4: memref<10000x128xf32, #tpu.memory_space<vmem>>) attributes {dimension_semantics = [], scalar_prefetch = 0 : i64, scratch_operands = 0 : i64, tpu.core_type = #tpu.core_type<tc>} {
    %get3A = arith.constant 0 : index
    %get3A_0 = arith.constant 0 : index
    %get3A_1 = vector.load %arg2[%get3A, %get3A_0] : memref<10000x1xf32, #tpu.memory_space<vmem>>, vector<10000x1xf32>
    %get3A_2 = arith.constant 0 : index
    %get3A_3 = arith.constant 0 : index
    %get3A_4 = arith.constant 0 : index
    %get3A_5 = vector.load %arg0[%get3A_2, %get3A_3, %get3A_4] : memref<2x10000x128xf32, #tpu.memory_space<vmem>>, vector<1x10000x128xf32>
    %get3A_6 = vector.shape_cast %get3A_5 : vector<1x10000x128xf32> to vector<10000x128xf32>
    %get3A_7 = arith.constant 1 : index
    %get3A_8 = arith.constant 0 : index
    %get3A_9 = arith.constant 0 : index
    %get3A_10 = vector.load %arg0[%get3A_7, %get3A_8, %get3A_9] : memref<2x10000x128xf32, #tpu.memory_space<vmem>>, vector<1x10000x128xf32>
    %get3A_11 = vector.shape_cast %get3A_10 : vector<1x10000x128xf32> to vector<10000x128xf32>
    %add3A = arith.addf %get3A_6, %get3A_11 : vector<10000x128xf32>
    %get3A_12 = arith.constant 0 : index
    %get3A_13 = arith.constant 0 : index
    %get3A_14 = vector.load %arg1[%get3A_12, %get3A_13] : memref<10000x128xf32, #tpu.memory_space<vmem>>, vector<10000x128xf32>
    %add3A_15 = arith.addf %add3A, %get3A_14 : vector<10000x128xf32>
    %mul3A = vector.broadcast %get3A_1 : vector<10000x1xf32> to vector<10000x128xf32>
    %mul3A_16 = arith.mulf %mul3A, %add3A_15 : vector<10000x128xf32>
    %get3A_17 = arith.constant 0 : index
    %get3A_18 = arith.constant 0 : index
    %get3A_19 = vector.load %arg3[%get3A_17, %get3A_18] : memref<1x128xf32, #tpu.memory_space<vmem>>, vector<1x128xf32>
    %add3A_20 = vector.broadcast %get3A_19 : vector<1x128xf32> to vector<10000x128xf32>
    %add3A_21 = arith.addf %mul3A_16, %add3A_20 : vector<10000x128xf32>
    %swap3A = arith.constant 0 : index
    %swap3A_22 = arith.constant 0 : index
    %swap3A_23 = vector.load %arg4[%swap3A, %swap3A_22] : memref<10000x128xf32, #tpu.memory_space<vmem>>, vector<10000x128xf32>
    tpu.vector_store %arg4[%swap3A, %swap3A_22], %add3A_21 {strides = array<i32>} : memref<10000x128xf32, #tpu.memory_space<vmem>>, vector<10000x128xf32>,
    return
  }
}

</mosaic_0001>

<sc_bundles>
// kernel: kernel.10.cloned.1.call-start
scs
__scs_entry_jumppad:
0x0: {  	(pc) =	sbr.rel $0x88, $3  }
0x1: {  	(tag) =	ssettag $0x0;
	lr =	simm.s32 $0x1  }
0x2: {  	[smem:$0x3F99] =	sst lr;
	_ =	strace $0xD0000000  }
0x3: {  	_ = 	snop  }
0x4: {  	_ = 	snop  }
0x5: {  	_ = 	snop  }
0x6: {  	_ = 	snop  }
0x7: {  	_ = 	snop  }
__scs_overlays_trampoline_lowered:
0x8: {  	[smem:$0x3FA8] =	sst s0  }
0x9: {  	[smem:$0x3FA9] =	sst s1  }
0xa: {  	[smem:$0x3FAA] =	sst s2  }
0xb: {  	[smem:$0x3FAB] =	sst s3  }
0xc: {  	[smem:$0x3FAC] =	sst s4  }
0xd: {  	[smem:$0x3FAD] =	sst s5  }
0xe: {  	[smem:$0x3FAE] =	sst s6  }
0xf: {  	[smem:$0x3FAF] =	sst s7  }
0x10: {  	[smem:$0x3FB0] =	sst s8  }
0x11: {  	[smem:$0x3FB1] =	sst s9;
	s0 =	simm.s32 @!p0 $0x0  }
0x12: {  	s1 =	sld [smem:$0x3F97];
	s0 =	simm.s32 @p0 $0x1  }
0x13: {  	[smem:$0x3FB2] =	sst s0;
	s0 =	simm.s32 @!p1 $0x0  }
0x14: {  	s2 =	sld [smem:$0x3F96];
	s0 =	simm.s32 @p1 $0x1  }
0x15: {  	[smem:$0x3FB3] =	sst s0;
	s0 =	simm.s32 @!p2 $0x0  }
0x16: {  	s3 =	sld [smem:$0x3FDB];
	s0 =	simm.s32 @p2 $0x1  }
0x17: {  	s4 =	simm.s32 $0x1BF5;
	[smem:$0x3FB5] =	sst s0  }
0x18: {  	s0 =	sld [smem:$0x3F98];
	_ =	swait.ge [sflag:s4], $0x0  }
0x19: {  	s7 =	sld [smem:$0x3F99]  }
0x1a: {  	s8 =	sadd.s32 $0xFFFFE003, lr  }
0x1b: {  	s9 =	sadd.s32 $0xFFFFFEF7, lr;
	s5 =	simm.s32 $0xFFFFFFFF;
	p2 =	slt.u32 s8, $0xFFFFF086  }
0x1c: {  	p1 =	slt.u32 s9, $0xF7A;
	s5 =	simm.s32 @!p2 $0x0  }
0x1d: {  	s5 =	simm.s32 @p1 $0x1;
	p0 =	seq.s32 s7, s2  }
0x1e: {  	s7 =	smul.u32 @!p0 $0xF7A, s2;
	p2 =	seq.s32 @!p0 s5, $0x0  }
0x1f: {  	s9 =	smul.u32 $0xF7A, s1;
	s8 =	simm.s32 @!p0 $0x1BF5;
	p2 =	por !p2, p0  }
0x20: {  	[sflag:s8] =	ssyncset.s32 @!p0 $0xFFFFF086;
	s6 =	sadd.s32 @!p0 s3, s7;
	s7 =	simm.s32 @!p0 $0x108  }
0x21: {  	s3 =	sadd.s32 s3, s9;
	s6 =	sadd.s32 @!p0 $0x88, s6;
	s7 =	simm.s32 @p2 $0x1082  }
0x22: {  	[simem:s7], [sflag:s8] =	dma.local @!p0 [hbm:s6], $0xF7A  }
0x23: {  	s9 =	sor.u32 $0xD0000000, s2;
	s6 =	simm.s32 $0x108;
	_ =	swait.ge @!p0 [sflag:s8], $0x0  }
0x24: {  	s3 =	sadd.s32 $0x88, s3;
	s6 =	simm.s32 @!p1 $0x1082;
	[sflag:s4] =	ssyncset.s32 $0xFFFFF086  }
0x25: {  	[simem:s6], [sflag:s4] =	dma.local [hbm:s3], $0xF7A  }
0x26: {  	[smem:$0x3F99] =	sst s1;
	(tag) =	ssettag s2;
	_ =	strace s9  }
0x27: {  	s1 =	sld [smem:$0x3FA9]  }
0x28: {  	s2 =	sld [smem:$0x3FAA]  }
0x29: {  	s4 =	sld [smem:$0x3FAC]  }
0x2a: {  	p0 =	seq.s32 s5, $0x0;
	s5 =	sld [smem:$0x3FAD]  }
0x2b: {  	s6 =	sld [smem:$0x3FAE]  }
0x2c: {  	s7 =	sld [smem:$0x3FAF]  }
0x2d: {  	s3 =	simm.s32 $0x108;
	s8 =	sld [smem:$0x3FB0]  }
0x2e: {  	s3 =	simm.s32 @!p0 $0x1082;
	s9 =	sld [smem:$0x3FB1]  }
0x2f: {  	lr =	sadd.s32 s0, s3;
	s0 =	sld [smem:$0x3FA8]  }
0x30: {  	s3 =	sld [smem:$0x3FAB]  }
0x31: {  	[smem:$0x3FB4] =	sst s10  }
0x32: {  	s10 =	sld [smem:$0x3FB2];
	_ =	sdelay $0x3  }
0x33: {  	p0 =	seq.s32 s10, $0x1;
	s10 =	sld [smem:$0x3FB4];
	_ =	sdelay $0x3  }
0x34: {  	[smem:$0x3FB4] =	sst s10  }
0x35: {  	s10 =	sld [smem:$0x3FB3];
	_ =	sdelay $0x3  }
0x36: {  	p1 =	seq.s32 s10, $0x1;
	s10 =	sld [smem:$0x3FB4];
	_ =	sdelay $0x3  }
0x37: {  	[smem:$0x3FB4] =	sst s10  }
0x38: {  	s10 =	sld [smem:$0x3FB5]  }
0x39: {  	_ = 	snop;
	(pc) =	sbr.ind lr, $3  }
0x3a: {  	_ = 	snop  }
0x3b: {  	_ = 	snop  }
0x3c: {  	p2 =	seq.s32 s10, $0x1;
	s10 =	sld [smem:$0x3FB4]  }
0x3d: {  	_ =	shalt  }
0x3e: {  	_ =	shalt  }
0x3f: {  	_ =	shalt  }
0x40: {  	_ =	shalt  }
0x41: {  	_ =	shalt  }
0x42: {  	_ =	shalt  }
0x43: {  	_ =	shalt  }
0x44: {  	_ =	shalt  }
0x45: {  	_ =	shalt  }
0x46: {  	_ =	shalt  }
0x47: {  	_ =	shalt  }
0x48: {  	_ =	shalt  }
0x49: {  	_ =	shalt  }
0x4a: {  	_ =	shalt  }
0x4b: {  	_ =	shalt  }
0x4c: {  	_ =	shalt  }
0x4d: {  	_ =	shalt  }
0x4e: {  	_ =	shalt  }
0x4f: {  	_ =	shalt  }
0x50: {  	_ =	shalt  }
0x51: {  	_ =	shalt  }
0x52: {  	_ =	shalt  }
0x53: {  	_ =	shalt  }
0x54: {  	_ =	shalt  }
0x55: {  	_ =	shalt  }
0x56: {  	_ =	shalt  }
0x57: {  	_ =	shalt  }
0x58: {  	_ =	shalt  }
0x59: {  	_ =	shalt  }
0x5a: {  	_ =	shalt  }
0x5b: {  	_ =	shalt  }
0x5c: {  	_ =	shalt  }
0x5d: {  	_ =	shalt  }
0x5e: {  	_ =	shalt  }
0x5f: {  	_ =	shalt  }
0x60: {  	_ =	shalt  }
0x61: {  	_ =	shalt  }
0x62: {  	_ =	shalt  }
0x63: {  	_ =	shalt  }
0x64: {  	_ =	shalt  }
0x65: {  	_ =	shalt  }
0x66: {  	_ =	shalt  }
0x67: {  	_ =	shalt  }
0x68: {  	_ =	shalt  }
0x69: {  	_ =	shalt  }
0x6a: {  	_ =	shalt  }
0x6b: {  	_ =	shalt  }
0x6c: {  	_ =	shalt  }
0x6d: {  	_ =	shalt  }
0x6e: {  	_ =	shalt  }
0x6f: {  	_ =	shalt  }
0x70: {  	_ =	shalt  }
0x71: {  	_ =	shalt  }
0x72: {  	_ =	shalt  }
0x73: {  	_ =	shalt  }
0x74: {  	_ =	shalt  }
0x75: {  	_ =	shalt  }
0x76: {  	_ =	shalt  }
0x77: {  	_ =	shalt  }
0x78: {  	_ =	shalt  }
0x79: {  	_ =	shalt  }
0x7a: {  	_ =	shalt  }
0x7b: {  	_ =	shalt  }
0x7c: {  	_ =	shalt  }
0x7d: {  	_ =	shalt  }
0x7e: {  	_ =	shalt  }
0x7f: {  	_ =	shalt  }
0x80: {  	_ =	shalt  }
0x81: {  	_ =	shalt  }
0x82: {  	_ =	shalt  }
0x83: {  	_ =	shalt  }
0x84: {  	_ =	shalt  }
0x85: {  	_ =	shalt  }
0x86: {  	_ =	shalt  }
0x87: {  	_ =	shalt  }
.Lfunc_end0:
.L_simem_size_0:
called_computation_lowered:
.L_overlay_start_0:
0x88: {  	s2 =	sld [smem:$0x3FD9]  }
0x89: {  	s3 =	sld [smem:$0x3FFE];
	_ =	sdelay $0x1  }
0x8a: {  	s1 =	srdreg.scid  }
0x8b: {  	s0 =	sand.u32 $0x1, s1  }
0x8c: {  	s17 =	sshll.u32 s0, $0xA;
	s2 =	sadd.s32 s3, s2  }
0x8d: {  	s2 =	sadd.s32 s2, s17  }
0x8e: {  	[smem:$0x3FC0] =	sst s2  }
0x8f: {  	_ = 	snop  }
0x90: {  	s2 =	sld [smem:$0x3FD0];
	(tm) =	ssettm $0x1  }
0x91: {  	s18 =	sld [smem:$0x3FFB];
	_ =	sdelay $0x3  }
0x92: {  	_ =	strace s18  }
0x93: {  	s3 =	sld [smem:$0x3FFC];
	_ =	sdelay $0x3  }
0x94: {  	_ =	strace s3  }
0x95: {  	s3 =	sld [smem:$0x3FFD];
	_ =	sdelay $0x3  }
0x96: {  	_ =	strace s3  }
0x97: {  	_ =	strace $0x8FFFFFFF  }
0x98: {  	s19 =	sld [smem:$0x3FDB];
	_ =	sdelay $0x1  }
0x99: {  	s4 =	simm.s32 $_scs_section_size  }
0x9a: {  	s5 =	simm.s32 $_size__tile_overlayer_lowered;
	s6 =	simm.s32 $_tile_overlayer_lowered  }
0x9b: {  	s22 =	simm.s32 $0x1BFF;
	s21 =	sshll.u32 s6, $0x1;
	s3 =	sadd.s32 s4, s19  }
0x9c: {  	s7 =	simm.s32 $0x0;
	s20 =	sshll.u32 s5, $0x1;
	s5 =	sadd.s32 s21, s3  }
0x9d: {  	[timem:s7], [sflag:s22] =	dma.local [hbm:s5], s20  }
0x9e: {  	_ =	swait.ge [sflag:s22], s20  }
0x9f: {  	s4 =	ssub.s32 $0x0, s20;
	[sflag:s22] =	ssyncset.done $0x0  }
0xa0: {  	[sflag:s22] =	ssyncadd.s32 s4;
	_ =	sdelay $0x1  }
0xa1: {  	s23 =	simm.s32 $0x1B8B  }
0xa2: {  	_ =	swait.ge [sflag:s23], $0x1  }
0xa3: {  	[sflag:s23] =	ssyncset.done $0x0  }
0xa4: {  	s25 =	simm.s32 $0x1B8E;
	s24 =	sld [smem:$0x3FFE];
	[sflag:s23] =	ssyncadd.s32 $0xFFFFFFFF  }
0xa5: {  	s26 =	simm.s32 $execute0_lowered;
	[smem:$0x3FD2] =	sst s25  }
0xa6: {  	s5 =	sshll.u32 s26, $0x1;
	_ =	strace $0x80000046;
	[dreg:$0x1] =	wrdreg $0xFFFFFFFF  }
0xa7: {  	s28 =	simm.s32 $_size_execute0_lowered;
	s3 =	sadd.s32 s3, s5;
	[dreg:$0x0] =	wrdreg $0x0  }
0xa8: {  	s5 =	sshll.u32 s28, $0x1;
	[dreg:$0x2] =	wrdreg s3  }
0xa9: {  	[dreg:$0x3] =	wrdreg s5  }
0xaa: {  	[dreg:$0x4] =	wrdreg $0xC0  }
0xab: {  	_ =	task [dreg:s7], $0x5FFFF  }
0xac: {  	[dreg:$0x1] =	wrdreg $0xFFFFFFFF  }
0xad: {  	[dreg:$0x0] =	wrdreg $0x60  }
0xae: {  	[dreg:$0x2] =	wrdreg s24  }
0xaf: {  	[dreg:$0x3] =	wrdreg s2  }
0xb0: {  	[dreg:$0x4] =	wrdreg $0x1000  }
0xb1: {  	[dreg:$0x5] =	wrdreg $0x9  }
0xb2: {  	_ =	task.clear_ibuf [dreg:s7], $0x6FFFF;
	_ =	strace $0x90000046  }
0xb3: {  	s29 =	simm.s32 $0x9;
	_ =	strace $0x80000048  }
0xb4: {  	_ =	swait.ge [sflag:s29], $0x1  }
0xb5: {  	[sflag:s29] =	ssyncadd.s32 $0xFFFFFFFF  }
0xb6: {  	_ =	strace $0x90000048  }
0xb7: {  	_ =	sfence  }
0xb8: {  	s30 =	sld [smem:$0x0];
	_ =	sdelay $0x2  }
0xb9: {  	s31 =	sshll.u32 s1, $0xD;
	s1 =	sshrl.u32 s1, $0x2  }
0xba: {  	s3 =	sand.u32 $0x4000, s31;
	s1 =	sadd.s32 s1, s30  }
0xbb: {  	s0 =	sor.u32 s3, s0;
	s1 =	sshll.u32 s1, $0x11  }
0xbc: {  	s0 =	sor.u32 s1, s0  }
0xbd: {  	s0 =	sadd.s32 $0x8F2B, s0  }
0xbe: {  	[sflag:s0] =	ssyncadd.remote.s32 $0x1  }
0xbf: {  	_ =	sfence.sel $0xFFFF  }
0xc0: {  	[dreg:$0x0] =	wrdreg $0xFFFFFFFF;
	(pc) =	sbr.abs _section_cstart, $3  }
0xc1: {  	[dreg:$0x1] =	wrdreg $0xFFFFFFFF  }
0xc2: {  	_ =	task.clear_ibuf [dreg:s7], $0x2FFFF;
	_ =	strace $0x9FFFFFFF  }
0xc3: {  	(tm) =	ssettm $0x7FFFFFFF  }
tec
execute0_lowered:
.L_overlay_start_1:
0x0: {  	(tag) =	ssettag $0x1  }
0x1: {  	s3 =	rddreg [dreg:$0x0]  }
0x2: {  	s0 =	srdreg.scid;
	s7 =	rddreg [dreg:$0x1]  }
0x3: {  	s6 =	stileid.u32;
	s1 =	rddreg [dreg:$0x2]  }
0x4: {  	s2 =	simm.s32 $0x0;
	s10 =	simm.s32 $0x80;
	s11 =	simm.s32 $0x0  }
0x5: {  	s4 =	sand.u32 $0x1, s0;
	s8 =	smul.u32 $0x2710, s6;
	s0 =	rddreg [dreg:$0x3]  }
0x6: {  	[smem:$0x7FF] =	sst s2;
	p0 =	sne.s32 s6, $0x0;
	s5 =	smul.u32 $0x27100, s4  }
0x7: {  	s30 =	ssub.s32 $0x2, s4;
	_ =	strace $0x80000047;
	s4 =	sshll.u32 s4, $0x4  }
0x8: {  	s31 =	sshrl.u32 s30, $0x1;
	s4 =	sadd.s32 s7, s4;
	s5 =	sadd.s32 s8, s5  }
0x9: {  	s7 =	sshrl.u32 @!p0 s1, $0x3;
	s8 =	simm.s32 $0x1;
	s5 =	sshrl.u32 s5, $0x3  }
0xa: {  	s9 =	sadd.s32 s5, s3;
	s3 =	sadd.s32 $0x16800, s3;
	s5 =	ssub.s32 s30, s31  }
0xb: {  	v0 =	vimm.f32 $1.000000000e+00;
	s5 =	smax.u32 s5, $0x1;
	s6 =	sadd.s32 $0xCA00, s9;
	s9 =	simm.s32 $0x50  }
.LBB2_1:
0xc: {  	[tilespmem:$0x80] =	vst v0  }
0xd: {  	[tilespmem:$0x90] =	vst v0  }
0xe: {  	[tilespmem:$0xA0] =	vst v0  }
0xf: {  	[tilespmem:$0xB0] =	vst v0  }
0x10: {  	[tilespmem:$0xC0] =	vst v0;
	s12 =	simm.s32 @!p0 $0x1C01  }
0x11: {  	[spmem:s7], [sflag:s12] =	dma.local @!p0 [hbm:s3], $0x4F0  }
0x12: {  	s12 =	simm.s32 @!p0 $0x1  }
0x13: {  	_ =	swait.ge @!p0 [sflag:s12], $0x4F0  }
0x14: {  	[sflag:s12] =	ssyncset.done @!p0 $0x0  }
0x15: {  	[sflag:s12] =	ssyncadd.s32 @!p0 $0xFFFFFB10  }
0x16: {  	s31 =	sadd.s32 $0x0, s6;
	[bflag:$0x0] =	sbarrier.arrive $0xFFFF  }
0x17: {  	[tilespmem:s2], [sflag:$0x1] =	stream.linear.gather [hbm4b:s31+s2], $0x50, $0x38;
	[tilespmem:$0x378] =	vst v63  }
0x18: {  	_ =	swait.ge [sflag:s8], $0x50  }
0x19: {  	[sflag:s8] =	ssyncset.done $0x0  }
0x1a: {  	[sflag:s8] =	ssyncadd.s32 $0xFFFFFFB0  }
0x1b: {  	[spmem:s1] =	stream.indirect.scatter.add.f32 [tilespmem:s10], [sflag:$0x1], $0x1, s2, s9, $0xb8;
	[tilespmem:$0x378] =	vst v63  }
0x1c: {  	_ =	swait.ge [sflag:s8], $0x50  }
0x1d: {  	s13 =	simm.s32 $0x14;
	s12 =	simm.s32 $0xA;
	[sflag:s8] =	ssyncset.done $0x0  }
.LBB2_2:
0x1e: {  	s14 =	sadd.s32 s12, s6  }
0x1f: {  	[sflag:s8] =	ssyncadd.s32 $0xFFFFFFB0;
	s12 =	smov.u32 s13;
	s15 =	sadd.s32 $0xA, s13  }
0x20: {  	[tilespmem:s2], [sflag:$0x1] =	stream.linear.gather [hbm4b:s14+s2], $0x50, $0x38;
	[tilespmem:$0x378] =	vst v63  }
0x21: {  	p1 =	sne.s32 s13, $0x4D8;
	_ =	swait.ge [sflag:s8], $0x50  }
.Ltmp0:
0x22: {  	[sflag:s8] =	ssyncset.done $0x0;
	(pc) =	sbr.rel @p1 .LBB2_2-.Ltmp0, $4  }
0x23: {  	[sflag:s8] =	ssyncadd.s32 $0xFFFFFFB0  }
0x24: {  	[spmem:s1] =	stream.indirect.scatter.add.f32 [tilespmem:s10], [sflag:$0x1], $0x1, s2, s9, $0xb8;
	[tilespmem:$0x378] =	vst v63  }
0x25: {  	_ =	swait.ge [sflag:s8], $0x50  }
0x26: {  	s13 =	smov.u32 s15;
	[sflag:s8] =	ssyncset.done $0x0  }
0x27: {  	s12 =	sadd.s32 s12, s6;
	[sflag:s8] =	ssyncadd.s32 $0xFFFFFFB0  }
0x28: {  	[tilespmem:s2], [sflag:$0x1] =	stream.linear.gather [hbm4b:s12+s2], $0x50, $0x38;
	[tilespmem:$0x378] =	vst v63  }
0x29: {  	_ =	swait.ge [sflag:s8], $0x50  }
0x2a: {  	[sflag:s8] =	ssyncset.done $0x0  }
0x2b: {  	[sflag:s8] =	ssyncadd.s32 $0xFFFFFFB0  }
0x2c: {  	[spmem:s1] =	stream.indirect.scatter.add.f32 [tilespmem:s10], [sflag:$0x1], $0x1, s2, s9, $0xb8;
	[tilespmem:$0x378] =	vst v63  }
0x2d: {  	s13 =	simm.s32 @!p0 $0x20;
	_ =	swait.ge [sflag:s8], $0x50  }
0x2e: {  	s14 =	simm.s32 @!p0 $0x10;
	s11 =	sadd.s32 $0x1, s11;
	[sflag:s8] =	ssyncset.done $0x0  }
0x2f: {  	s15 =	simm.s32 @!p0 $0x1C01;
	p1 =	sne.s32 s11, s5;
	[sflag:s8] =	ssyncadd.s32 $0xFFFFFFB0  }
.Ltmp1:
0x30: {  	s12 =	simm.s32 @!p0 $0x1;
	[bflag:$0x0] =	sbarrier.arrive $0xFFFF;
	(pc) =	sbr.rel @p1 .LBB2_1-.Ltmp1, $4  }
0x31: {  	[hbm:s4@s13], [sflag:s15] =	dma.strided @!p0 [spmem:s7@s14], $0x4F0, s12, $0x10   }
0x32: {  	_ =	swait.ge @!p0 [sflag:s12], $0x4F0  }
0x33: {  	[sflag:s12] =	ssyncset.done @!p0 $0x0  }
0x34: {  	[sflag:s12] =	ssyncadd.s32 @!p0 $0xFFFFFB10  }
0x35: {  	_ =	sfence.sel $0x180000  }
0x36: {  	[bflag:$0x0] =	sbarrier.arrive $0xFFFF  }
0x37: {  	_ =	strace $0x90000047  }
0x38: {  	s0 =	sadd.s32 @!p0 $0x100000, s0;
	[bflag:$0x2] =	sbarrier.arrive $0xFFFF  }
0x39: {  	[sflag:s0] =	ssyncadd.tile.s32 @!p0 $0x1;
	_ =	shalt  }
.Lfunc_end2:
_tile_overlayer_lowered:
.L_overlay_start_2:
0x3a: {  	(tag) =	ssettag $0x2  }
0x3b: {  	s0 =	rddreg [dreg:$0x0];
	s2 =	stileid.u32  }
0x3c: {  	s1 =	rddreg [dreg:$0x1];
	p0 =	sne.s32 s2, $0x0  }
0x3d: {  	s3 =	rddreg [dreg:$0x2];
	[bflag:$0x3] =	sbarrier.arrive $0xFFFF;
	s2 =	simm.s32 @!p0 $0x1C01  }
0x3e: {  	[timem:s3], [sflag:s2] =	dma.local @!p0 [hbm:s0], s1  }
0x3f: {  	s0 =	simm.s32 @!p0 $0x1  }
0x40: {  	_ =	swait.ge @!p0 [sflag:s0], s1  }
0x41: {  	s1 =	ssub.s32 @!p0 $0x0, s1;
	[sflag:s0] =	ssyncset.done @!p0 $0x0  }
0x42: {  	[sflag:s0] =	ssyncadd.s32 @!p0 s1  }
0x43: {  	[bflag:$0x3] =	sbarrier.arrive $0xFFFF  }
0x44: {  	_ =	shalt  }

// kernel: kernel.13.cloned.1.call-start
scs
__scs_entry_jumppad:
0x0: {  	(pc) =	sbr.rel $0x88, $3  }
0x1: {  	(tag) =	ssettag $0x0;
	lr =	simm.s32 $0x1  }
0x2: {  	[smem:$0x3F99] =	sst lr;
	_ =	strace $0xD0000000  }
0x3: {  	_ = 	snop  }
0x4: {  	_ = 	snop  }
0x5: {  	_ = 	snop  }
0x6: {  	_ = 	snop  }
0x7: {  	_ = 	snop  }
__scs_overlays_trampoline_lowered:
0x8: {  	[smem:$0x3FA8] =	sst s0  }
0x9: {  	[smem:$0x3FA9] =	sst s1  }
0xa: {  	[smem:$0x3FAA] =	sst s2  }
0xb: {  	[smem:$0x3FAB] =	sst s3  }
0xc: {  	[smem:$0x3FAC] =	sst s4  }
0xd: {  	[smem:$0x3FAD] =	sst s5  }
0xe: {  	[smem:$0x3FAE] =	sst s6  }
0xf: {  	[smem:$0x3FAF] =	sst s7  }
0x10: {  	[smem:$0x3FB0] =	sst s8  }
0x11: {  	[smem:$0x3FB1] =	sst s9;
	s0 =	simm.s32 @!p0 $0x0  }
0x12: {  	s1 =	sld [smem:$0x3F97];
	s0 =	simm.s32 @p0 $0x1  }
0x13: {  	[smem:$0x3FB2] =	sst s0;
	s0 =	simm.s32 @!p1 $0x0  }
0x14: {  	s2 =	sld [smem:$0x3F96];
	s0 =	simm.s32 @p1 $0x1  }
0x15: {  	[smem:$0x3FB3] =	sst s0;
	s0 =	simm.s32 @!p2 $0x0  }
0x16: {  	s3 =	sld [smem:$0x3FDB];
	s0 =	simm.s32 @p2 $0x1  }
0x17: {  	s4 =	simm.s32 $0x1BF5;
	[smem:$0x3FB5] =	sst s0  }
0x18: {  	s0 =	sld [smem:$0x3F98];
	_ =	swait.ge [sflag:s4], $0x0  }
0x19: {  	s7 =	sld [smem:$0x3F99]  }
0x1a: {  	s8 =	sadd.s32 $0xFFFFE003, lr  }
0x1b: {  	s9 =	sadd.s32 $0xFFFFFEF7, lr;
	s5 =	simm.s32 $0xFFFFFFFF;
	p2 =	slt.u32 s8, $0xFFFFF086  }
0x1c: {  	p1 =	slt.u32 s9, $0xF7A;
	s5 =	simm.s32 @!p2 $0x0  }
0x1d: {  	s5 =	simm.s32 @p1 $0x1;
	p0 =	seq.s32 s7, s2  }
0x1e: {  	s7 =	smul.u32 @!p0 $0xF7A, s2;
	p2 =	seq.s32 @!p0 s5, $0x0  }
0x1f: {  	s9 =	smul.u32 $0xF7A, s1;
	s8 =	simm.s32 @!p0 $0x1BF5;
	p2 =	por !p2, p0  }
0x20: {  	[sflag:s8] =	ssyncset.s32 @!p0 $0xFFFFF086;
	s6 =	sadd.s32 @!p0 s3, s7;
	s7 =	simm.s32 @!p0 $0x108  }
0x21: {  	s3 =	sadd.s32 s3, s9;
	s6 =	sadd.s32 @!p0 $0x88, s6;
	s7 =	simm.s32 @p2 $0x1082  }
0x22: {  	[simem:s7], [sflag:s8] =	dma.local @!p0 [hbm:s6], $0xF7A  }
0x23: {  	s9 =	sor.u32 $0xD0000000, s2;
	s6 =	simm.s32 $0x108;
	_ =	swait.ge @!p0 [sflag:s8], $0x0  }
0x24: {  	s3 =	sadd.s32 $0x88, s3;
	s6 =	simm.s32 @!p1 $0x1082;
	[sflag:s4] =	ssyncset.s32 $0xFFFFF086  }
0x25: {  	[simem:s6], [sflag:s4] =	dma.local [hbm:s3], $0xF7A  }
0x26: {  	[smem:$0x3F99] =	sst s1;
	(tag) =	ssettag s2;
	_ =	strace s9  }
0x27: {  	s1 =	sld [smem:$0x3FA9]  }
0x28: {  	s2 =	sld [smem:$0x3FAA]  }
0x29: {  	s4 =	sld [smem:$0x3FAC]  }
0x2a: {  	p0 =	seq.s32 s5, $0x0;
	s5 =	sld [smem:$0x3FAD]  }
0x2b: {  	s6 =	sld [smem:$0x3FAE]  }
0x2c: {  	s7 =	sld [smem:$0x3FAF]  }
0x2d: {  	s3 =	simm.s32 $0x108;
	s8 =	sld [smem:$0x3FB0]  }
0x2e: {  	s3 =	simm.s32 @!p0 $0x1082;
	s9 =	sld [smem:$0x3FB1]  }
0x2f: {  	lr =	sadd.s32 s0, s3;
	s0 =	sld [smem:$0x3FA8]  }
0x30: {  	s3 =	sld [smem:$0x3FAB]  }
0x31: {  	[smem:$0x3FB4] =	sst s10  }
0x32: {  	s10 =	sld [smem:$0x3FB2];
	_ =	sdelay $0x3  }
0x33: {  	p0 =	seq.s32 s10, $0x1;
	s10 =	sld [smem:$0x3FB4];
	_ =	sdelay $0x3  }
0x34: {  	[smem:$0x3FB4] =	sst s10  }
0x35: {  	s10 =	sld [smem:$0x3FB3];
	_ =	sdelay $0x3  }
0x36: {  	p1 =	seq.s32 s10, $0x1;
	s10 =	sld [smem:$0x3FB4];
	_ =	sdelay $0x3  }
0x37: {  	[smem:$0x3FB4] =	sst s10  }
0x38: {  	s10 =	sld [smem:$0x3FB5]  }
0x39: {  	_ = 	snop;
	(pc) =	sbr.ind lr, $3  }
0x3a: {  	_ = 	snop  }
0x3b: {  	_ = 	snop  }
0x3c: {  	p2 =	seq.s32 s10, $0x1;
	s10 =	sld [smem:$0x3FB4]  }
0x3d: {  	_ =	shalt  }
0x3e: {  	_ =	shalt  }
0x3f: {  	_ =	shalt  }
0x40: {  	_ =	shalt  }
0x41: {  	_ =	shalt  }
0x42: {  	_ =	shalt  }
0x43: {  	_ =	shalt  }
0x44: {  	_ =	shalt  }
0x45: {  	_ =	shalt  }
0x46: {  	_ =	shalt  }
0x47: {  	_ =	shalt  }
0x48: {  	_ =	shalt  }
0x49: {  	_ =	shalt  }
0x4a: {  	_ =	shalt  }
0x4b: {  	_ =	shalt  }
0x4c: {  	_ =	shalt  }
0x4d: {  	_ =	shalt  }
0x4e: {  	_ =	shalt  }
0x4f: {  	_ =	shalt  }
0x50: {  	_ =	shalt  }
0x51: {  	_ =	shalt  }
0x52: {  	_ =	shalt  }
0x53: {  	_ =	shalt  }
0x54: {  	_ =	shalt  }
0x55: {  	_ =	shalt  }
0x56: {  	_ =	shalt  }
0x57: {  	_ =	shalt  }
0x58: {  	_ =	shalt  }
0x59: {  	_ =	shalt  }
0x5a: {  	_ =	shalt  }
0x5b: {  	_ =	shalt  }
0x5c: {  	_ =	shalt  }
0x5d: {  	_ =	shalt  }
0x5e: {  	_ =	shalt  }
0x5f: {  	_ =	shalt  }
0x60: {  	_ =	shalt  }
0x61: {  	_ =	shalt  }
0x62: {  	_ =	shalt  }
0x63: {  	_ =	shalt  }
0x64: {  	_ =	shalt  }
0x65: {  	_ =	shalt  }
0x66: {  	_ =	shalt  }
0x67: {  	_ =	shalt  }
0x68: {  	_ =	shalt  }
0x69: {  	_ =	shalt  }
0x6a: {  	_ =	shalt  }
0x6b: {  	_ =	shalt  }
0x6c: {  	_ =	shalt  }
0x6d: {  	_ =	shalt  }
0x6e: {  	_ =	shalt  }
0x6f: {  	_ =	shalt  }
0x70: {  	_ =	shalt  }
0x71: {  	_ =	shalt  }
0x72: {  	_ =	shalt  }
0x73: {  	_ =	shalt  }
0x74: {  	_ =	shalt  }
0x75: {  	_ =	shalt  }
0x76: {  	_ =	shalt  }
0x77: {  	_ =	shalt  }
0x78: {  	_ =	shalt  }
0x79: {  	_ =	shalt  }
0x7a: {  	_ =	shalt  }
0x7b: {  	_ =	shalt  }
0x7c: {  	_ =	shalt  }
0x7d: {  	_ =	shalt  }
0x7e: {  	_ =	shalt  }
0x7f: {  	_ =	shalt  }
0x80: {  	_ =	shalt  }
0x81: {  	_ =	shalt  }
0x82: {  	_ =	shalt  }
0x83: {  	_ =	shalt  }
0x84: {  	_ =	shalt  }
0x85: {  	_ =	shalt  }
0x86: {  	_ =	shalt  }
0x87: {  	_ =	shalt  }
.Lfunc_end0:
.L_simem_size_0:
called_computation.1_lowered:
.L_overlay_start_0:
0x88: {  	s2 =	sld [smem:$0x3FD9]  }
0x89: {  	s3 =	sld [smem:$0x3FFE];
	_ =	sdelay $0x1  }
0x8a: {  	s1 =	srdreg.scid  }
0x8b: {  	s0 =	sand.u32 $0x1, s1  }
0x8c: {  	s17 =	sshll.u32 s0, $0xA;
	s2 =	sadd.s32 s3, s2  }
0x8d: {  	s2 =	sadd.s32 s2, s17  }
0x8e: {  	[smem:$0x3FC0] =	sst s2  }
0x8f: {  	_ = 	snop  }
0x90: {  	s2 =	sld [smem:$0x3FD0];
	(tm) =	ssettm $0x1  }
0x91: {  	s18 =	sld [smem:$0x3FFB];
	_ =	sdelay $0x3  }
0x92: {  	_ =	strace s18  }
0x93: {  	s3 =	sld [smem:$0x3FFC];
	_ =	sdelay $0x3  }
0x94: {  	_ =	strace s3  }
0x95: {  	s3 =	sld [smem:$0x3FFD];
	_ =	sdelay $0x3  }
0x96: {  	_ =	strace s3  }
0x97: {  	_ =	strace $0x8FFFFFFF  }
0x98: {  	s19 =	sld [smem:$0x3FDB];
	_ =	sdelay $0x1  }
0x99: {  	s4 =	simm.s32 $_scs_section_size  }
0x9a: {  	s5 =	simm.s32 $_size__tile_overlayer_lowered;
	s6 =	simm.s32 $_tile_overlayer_lowered  }
0x9b: {  	s22 =	simm.s32 $0x1BFF;
	s21 =	sshll.u32 s6, $0x1;
	s3 =	sadd.s32 s4, s19  }
0x9c: {  	s7 =	simm.s32 $0x0;
	s20 =	sshll.u32 s5, $0x1;
	s5 =	sadd.s32 s21, s3  }
0x9d: {  	[timem:s7], [sflag:s22] =	dma.local [hbm:s5], s20  }
0x9e: {  	_ =	swait.ge [sflag:s22], s20  }
0x9f: {  	s4 =	ssub.s32 $0x0, s20;
	[sflag:s22] =	ssyncset.done $0x0  }
0xa0: {  	[sflag:s22] =	ssyncadd.s32 s4;
	_ =	sdelay $0x1  }
0xa1: {  	s23 =	simm.s32 $0x1B8B  }
0xa2: {  	_ =	swait.ge [sflag:s23], $0x1  }
0xa3: {  	[sflag:s23] =	ssyncset.done $0x0  }
0xa4: {  	s25 =	simm.s32 $0x1B8E;
	s24 =	sld [smem:$0x3FFE];
	[sflag:s23] =	ssyncadd.s32 $0xFFFFFFFF  }
0xa5: {  	s26 =	simm.s32 $execute0_lowered;
	[smem:$0x3FD2] =	sst s25  }
0xa6: {  	s5 =	sshll.u32 s26, $0x1;
	_ =	strace $0x80000049;
	[dreg:$0x1] =	wrdreg $0xFFFFFFFF  }
0xa7: {  	s28 =	simm.s32 $_size_execute0_lowered;
	s3 =	sadd.s32 s3, s5;
	[dreg:$0x0] =	wrdreg $0x0  }
0xa8: {  	s5 =	sshll.u32 s28, $0x1;
	[dreg:$0x2] =	wrdreg s3  }
0xa9: {  	[dreg:$0x3] =	wrdreg s5  }
0xaa: {  	[dreg:$0x4] =	wrdreg $0xC0  }
0xab: {  	_ =	task [dreg:s7], $0x5FFFF  }
0xac: {  	[dreg:$0x1] =	wrdreg $0xFFFFFFFF  }
0xad: {  	[dreg:$0x0] =	wrdreg $0x60  }
0xae: {  	[dreg:$0x2] =	wrdreg s2  }
0xaf: {  	[dreg:$0x3] =	wrdreg s24  }
0xb0: {  	[dreg:$0x4] =	wrdreg $0x29000  }
0xb1: {  	[dreg:$0x5] =	wrdreg $0x9  }
0xb2: {  	_ =	task.clear_ibuf [dreg:s7], $0x6FFFF;
	_ =	strace $0x90000049  }
0xb3: {  	s29 =	simm.s32 $0x9;
	_ =	strace $0x8000004B  }
0xb4: {  	_ =	swait.ge [sflag:s29], $0x1  }
0xb5: {  	[sflag:s29] =	ssyncadd.s32 $0xFFFFFFFF  }
0xb6: {  	_ =	strace $0x9000004B  }
0xb7: {  	_ =	sfence  }
0xb8: {  	s30 =	sld [smem:$0x0];
	_ =	sdelay $0x2  }
0xb9: {  	s31 =	sshll.u32 s1, $0xD;
	s1 =	sshrl.u32 s1, $0x2  }
0xba: {  	s3 =	sand.u32 $0x4000, s31;
	s1 =	sadd.s32 s1, s30  }
0xbb: {  	s0 =	sor.u32 s3, s0;
	s1 =	sshll.u32 s1, $0x11  }
0xbc: {  	s0 =	sor.u32 s1, s0  }
0xbd: {  	s0 =	sadd.s32 $0x8F2B, s0  }
0xbe: {  	[sflag:s0] =	ssyncadd.remote.s32 $0x1  }
0xbf: {  	_ =	sfence.sel $0xFFFF  }
0xc0: {  	[dreg:$0x0] =	wrdreg $0xFFFFFFFF;
	(pc) =	sbr.abs _section_cstart, $3  }
0xc1: {  	[dreg:$0x1] =	wrdreg $0xFFFFFFFF  }
0xc2: {  	_ =	task.clear_ibuf [dreg:s7], $0x2FFFF;
	_ =	strace $0x9FFFFFFF  }
0xc3: {  	(tm) =	ssettm $0x7FFFFFFF  }
tec
execute0_lowered:
.L_overlay_start_1:
0x0: {  	(tag) =	ssettag $0x1  }
0x1: {  	s0 =	rddreg [dreg:$0x0]  }
0x2: {  	s6 =	rddreg [dreg:$0x1];
	s1 =	srdreg.scid  }
0x3: {  	s3 =	rddreg [dreg:$0x2];
	s2 =	stileid.u32  }
0x4: {  	s4 =	simm.s32 $0x0;
	s14 =	simm.s32 $0x80;
	s15 =	simm.s32 $0x50  }
0x5: {  	s16 =	simm.s32 $0x100;
	s17 =	simm.s32 $0x1;
	s8 =	smul.u32 $0x2710, s2  }
0x6: {  	s5 =	sand.u32 $0x1, s1;
	s1 =	rddreg [dreg:$0x3];
	s19 =	smul.u32 $0x2700, s2  }
0x7: {  	[smem:$0x7FF] =	sst s4;
	s9 =	smul.u32 $0x4E000, s2;
	s13 =	sadd.s32 $0x124800, s3  }
0x8: {  	p0 =	seq.s32 s2, $0xF;
	s7 =	smul.u32 $0x27100, s5;
	s5 =	ssub.s32 $0x2, s5  }
0x9: {  	_ =	strace $0x8000004A;
	s30 =	sadd.s32 s19, s6;
	s11 =	sshrl.u32 s5, $0x1  }
0xa: {  	s31 =	sshrl.u32 s9, $0x2;
	s8 =	sadd.s32 s8, s7;
	s7 =	sadd.s32 s7, s6  }
0xb: {  	s11 =	ssub.s32 s5, s11;
	s12 =	sadd.s32 s31, s3;
	s5 =	sadd.s32 $0x16800, s30  }
0xc: {  	s8 =	sshrl.u32 s8, $0x3;
	s20 =	sadd.s32 $0x3DA00, s7;
	s7 =	smax.u32 s11, $0x1  }
0xd: {  	s11 =	sshll.u32 @!p0 s2, $0x6;
	s12 =	sshrl.u32 @!p0 s12, $0x3;
	s10 =	sadd.s32 s8, s6  }
0xe: {  	s6 =	sadd.s32 $0x3B100, s6;
	s11 =	sor.u32 @!p0 $0x1C02, s11;
	s18 =	sadd.s32 @p0 $0x24900, s20  }
0xf: {  	s19 =	sadd.s32 @!p0 s19, s20;
	s20 =	simm.s32 $0x0;
	s8 =	sadd.s32 $0xCA00, s10  }
0x10: {  	s9 =	sadd.s32 $0x2C00, s10;
	s10 =	sshrl.u32 @p0 s13, $0x3;
	s13 =	simm.s32 $0x2  }
.LBB2_1:
0x11: {  	s21 =	simm.s32 @p0 $0x1FC2  }
0x12: {  	[spmem:s10], [sflag:s21] =	dma.local @p0 [hbm:s6], $0x2800  }
0x13: {  	s21 =	simm.s32 @p0 $0x2  }
0x14: {  	_ =	swait.ge @p0 [sflag:s21], $0x2800  }
0x15: {  	[sflag:s21] =	ssyncset.done @p0 $0x0  }
0x16: {  	[sflag:s21] =	ssyncadd.s32 @p0 $0xFFFFD800;
	s21 =	simm.s32 @!p0 $0x2  }
0x17: {  	[spmem:s12], [sflag:s11] =	dma.local @!p0 [hbm:s5], $0x2700  }
0x18: {  	_ =	swait.ge @!p0 [sflag:s21], $0x2700  }
0x19: {  	[sflag:s21] =	ssyncset.done @!p0 $0x0  }
0x1a: {  	[sflag:s21] =	ssyncadd.s32 @!p0 $0xFFFFD900  }
0x1b: {  	s30 =	sadd.s32 $0x0, s9;
	[bflag:$0x0] =	sbarrier.arrive $0xFFFF  }
0x1c: {  	[tilespmem:s4], [sflag:$0x2] =	stream.linear.gather [hbm4b:s30+s4], $0x50, $0x38;
	[tilespmem:$0x16180] =	vst v63  }
0x1d: {  	_ =	swait.ge [sflag:s13], $0x50  }
0x1e: {  	[sflag:s13] =	ssyncset.done $0x0  }
0x1f: {  	s31 =	sadd.s32 $0x0, s8;
	[sflag:s13] =	ssyncadd.s32 $0xFFFFFFB0  }
0x20: {  	[tilespmem:s14], [sflag:$0x2] =	stream.linear.gather [hbm4b:s31+s4], $0x50, $0x38;
	[tilespmem:$0x16180] =	vst v63  }
0x21: {  	_ =	swait.ge [sflag:s13], $0x50  }
0x22: {  	[sflag:s13] =	ssyncset.done $0x0  }
0x23: {  	[sflag:s13] =	ssyncadd.s32 $0xFFFFFFB0  }
0x24: {  	[tilespmem:s16], [sflag:$0x1] =	stream.indirect.gather [hbm4b:s0+s15], $0x80, s4, s15, $0xb8;
	[tilespmem:$0x16180] =	vst v63  }
0x25: {  	_ =	swait.ge [sflag:s17], $0x2800  }
0x26: {  	[sflag:s17] =	ssyncset.done $0x0  }
0x27: {  	[sflag:s17] =	ssyncadd.s32 $0xFFFFD800  }
0x28: {  	[spmem:s3] =	stream.indirect.scatter.add.f32 [tilespmem:s16], [sflag:$0x2], $0x80, s14, s15, $0xb8;
	[tilespmem:$0x16180] =	vst v63  }
0x29: {  	_ =	swait.ge [sflag:s13], $0x2800  }
0x2a: {  	s22 =	simm.s32 $0x14;
	s21 =	simm.s32 $0xA;
	[sflag:s13] =	ssyncset.done $0x0  }
.LBB2_2:
0x2b: {  	s23 =	sadd.s32 s21, s9  }
0x2c: {  	[sflag:s13] =	ssyncadd.s32 $0xFFFFD800;
	s24 =	smov.u32 s22;
	s25 =	sadd.s32 $0xA, s22  }
0x2d: {  	[tilespmem:s4], [sflag:$0x2] =	stream.linear.gather [hbm4b:s23+s4], $0x50, $0x38;
	[tilespmem:$0x16180] =	vst v63  }
0x2e: {  	p1 =	sne.s32 s22, $0x4D8;
	_ =	swait.ge [sflag:s13], $0x50  }
0x2f: {  	[sflag:s13] =	ssyncset.done $0x0  }
0x30: {  	s22 =	sadd.s32 s21, s8;
	s21 =	smov.u32 s24;
	[sflag:s13] =	ssyncadd.s32 $0xFFFFFFB0  }
0x31: {  	[tilespmem:s14], [sflag:$0x2] =	stream.linear.gather [hbm4b:s22+s4], $0x50, $0x38;
	[tilespmem:$0x16180] =	vst v63  }
0x32: {  	_ =	swait.ge [sflag:s13], $0x50  }
0x33: {  	[sflag:s13] =	ssyncset.done $0x0  }
0x34: {  	[sflag:s13] =	ssyncadd.s32 $0xFFFFFFB0  }
0x35: {  	[tilespmem:s16], [sflag:$0x1] =	stream.indirect.gather [hbm4b:s0+s15], $0x80, s4, s15, $0xb8;
	[tilespmem:$0x16180] =	vst v63  }
0x36: {  	_ =	swait.ge [sflag:s17], $0x2800  }
.Ltmp0:
0x37: {  	[sflag:s17] =	ssyncset.done $0x0;
	(pc) =	sbr.rel @p1 .LBB2_2-.Ltmp0, $4  }
0x38: {  	[sflag:s17] =	ssyncadd.s32 $0xFFFFD800  }
0x39: {  	[spmem:s3] =	stream.indirect.scatter.add.f32 [tilespmem:s16], [sflag:$0x2], $0x80, s14, s15, $0xb8;
	[tilespmem:$0x16180] =	vst v63  }
0x3a: {  	_ =	swait.ge [sflag:s13], $0x2800  }
0x3b: {  	s22 =	smov.u32 s25;
	[sflag:s13] =	ssyncset.done $0x0  }
0x3c: {  	s22 =	sadd.s32 s21, s9;
	[sflag:s13] =	ssyncadd.s32 $0xFFFFD800  }
0x3d: {  	[tilespmem:s4], [sflag:$0x2] =	stream.linear.gather [hbm4b:s22+s4], $0x50, $0x38;
	[tilespmem:$0x16180] =	vst v63  }
0x3e: {  	_ =	swait.ge [sflag:s13], $0x50  }
0x3f: {  	[sflag:s13] =	ssyncset.done $0x0  }
0x40: {  	s31 =	sadd.s32 s21, s8;
	[sflag:s13] =	ssyncadd.s32 $0xFFFFFFB0  }
0x41: {  	[tilespmem:s14], [sflag:$0x2] =	stream.linear.gather [hbm4b:s31+s4], $0x50, $0x38;
	[tilespmem:$0x16180] =	vst v63  }
0x42: {  	_ =	swait.ge [sflag:s13], $0x50  }
0x43: {  	[sflag:s13] =	ssyncset.done $0x0  }
0x44: {  	[sflag:s13] =	ssyncadd.s32 $0xFFFFFFB0  }
0x45: {  	[tilespmem:s16], [sflag:$0x1] =	stream.indirect.gather [hbm4b:s0+s15], $0x80, s4, s15, $0xb8;
	[tilespmem:$0x16180] =	vst v63  }
0x46: {  	_ =	swait.ge [sflag:s17], $0x2800  }
0x47: {  	[sflag:s17] =	ssyncset.done $0x0  }
0x48: {  	[sflag:s17] =	ssyncadd.s32 $0xFFFFD800  }
0x49: {  	[spmem:s3] =	stream.indirect.scatter.add.f32 [tilespmem:s16], [sflag:$0x2], $0x80, s14, s15, $0xb8;
	[tilespmem:$0x16180] =	vst v63  }
0x4a: {  	_ =	swait.ge [sflag:s13], $0x2800  }
0x4b: {  	[sflag:s13] =	ssyncset.done $0x0  }
0x4c: {  	[sflag:s13] =	ssyncadd.s32 $0xFFFFD800  }
0x4d: {  	s21 =	simm.s32 @p0 $0x1FC2;
	[bflag:$0x0] =	sbarrier.arrive $0xFFFF  }
0x4e: {  	[hbm:s18], [sflag:s21] =	dma.local @p0 [spmem:s10], $0x2800  }
0x4f: {  	s21 =	simm.s32 @p0 $0x2  }
0x50: {  	s20 =	sadd.s32 $0x1, s20;
	_ =	swait.ge @p0 [sflag:s21], $0x2800  }
0x51: {  	p1 =	sne.s32 s20, s7;
	[sflag:s21] =	ssyncset.done @p0 $0x0  }
.Ltmp1:
0x52: {  	[sflag:s21] =	ssyncadd.s32 @p0 $0xFFFFD800;
	s21 =	simm.s32 @!p0 $0x2;
	(pc) =	sbr.rel @p1 .LBB2_1-.Ltmp1, $4  }
0x53: {  	[hbm:s19], [sflag:s11] =	dma.local @!p0 [spmem:s12], $0x2700  }
0x54: {  	_ =	swait.ge @!p0 [sflag:s21], $0x2700  }
0x55: {  	[sflag:s21] =	ssyncset.done @!p0 $0x0  }
0x56: {  	[sflag:s21] =	ssyncadd.s32 @!p0 $0xFFFFD900  }
0x57: {  	_ =	sfence.sel $0x180000  }
0x58: {  	[bflag:$0x0] =	sbarrier.arrive $0xFFFF  }
0x59: {  	p0 =	sne.s32 s2, $0x0;
	_ =	strace $0x9000004A  }
0x5a: {  	s0 =	sadd.s32 @!p0 $0x100000, s1;
	[bflag:$0x2] =	sbarrier.arrive $0xFFFF  }
0x5b: {  	[sflag:s0] =	ssyncadd.tile.s32 @!p0 $0x1;
	_ =	shalt  }
.Lfunc_end2:
_tile_overlayer_lowered:
.L_overlay_start_2:
0x5c: {  	(tag) =	ssettag $0x2  }
0x5d: {  	s0 =	rddreg [dreg:$0x0];
	s2 =	stileid.u32  }
0x5e: {  	s1 =	rddreg [dreg:$0x1];
	p0 =	sne.s32 s2, $0x0  }
0x5f: {  	s3 =	rddreg [dreg:$0x2];
	[bflag:$0x3] =	sbarrier.arrive $0xFFFF;
	s2 =	simm.s32 @!p0 $0x1C02  }
0x60: {  	[timem:s3], [sflag:s2] =	dma.local @!p0 [hbm:s0], s1  }
0x61: {  	s0 =	simm.s32 @!p0 $0x2  }
0x62: {  	_ =	swait.ge @!p0 [sflag:s0], s1  }
0x63: {  	s1 =	ssub.s32 @!p0 $0x0, s1;
	[sflag:s0] =	ssyncset.done @!p0 $0x0  }
0x64: {  	[sflag:s0] =	ssyncadd.s32 @!p0 s1  }
0x65: {  	[bflag:$0x3] =	sbarrier.arrive $0xFFFF  }
0x66: {  	_ =	shalt  }

// kernel: kernel.16.cloned.1.call-start
scs
__scs_entry_jumppad:
0x0: {  	(pc) =	sbr.rel $0x88, $3  }
0x1: {  	(tag) =	ssettag $0x0;
	lr =	simm.s32 $0x1  }
0x2: {  	[smem:$0x3F99] =	sst lr;
	_ =	strace $0xD0000000  }
0x3: {  	_ = 	snop  }
0x4: {  	_ = 	snop  }
0x5: {  	_ = 	snop  }
0x6: {  	_ = 	snop  }
0x7: {  	_ = 	snop  }
__scs_overlays_trampoline_lowered:
0x8: {  	[smem:$0x3FA8] =	sst s0  }
0x9: {  	[smem:$0x3FA9] =	sst s1  }
0xa: {  	[smem:$0x3FAA] =	sst s2  }
0xb: {  	[smem:$0x3FAB] =	sst s3  }
0xc: {  	[smem:$0x3FAC] =	sst s4  }
0xd: {  	[smem:$0x3FAD] =	sst s5  }
0xe: {  	[smem:$0x3FAE] =	sst s6  }
0xf: {  	[smem:$0x3FAF] =	sst s7  }
0x10: {  	[smem:$0x3FB0] =	sst s8  }
0x11: {  	[smem:$0x3FB1] =	sst s9;
	s0 =	simm.s32 @!p0 $0x0  }
0x12: {  	s1 =	sld [smem:$0x3F97];
	s0 =	simm.s32 @p0 $0x1  }
0x13: {  	[smem:$0x3FB2] =	sst s0;
	s0 =	simm.s32 @!p1 $0x0  }
0x14: {  	s2 =	sld [smem:$0x3F96];
	s0 =	simm.s32 @p1 $0x1  }
0x15: {  	[smem:$0x3FB3] =	sst s0;
	s0 =	simm.s32 @!p2 $0x0  }
0x16: {  	s3 =	sld [smem:$0x3FDB];
	s0 =	simm.s32 @p2 $0x1  }
0x17: {  	s4 =	simm.s32 $0x1BF5;
	[smem:$0x3FB5] =	sst s0  }
0x18: {  	s0 =	sld [smem:$0x3F98];
	_ =	swait.ge [sflag:s4], $0x0  }
0x19: {  	s7 =	sld [smem:$0x3F99]  }
0x1a: {  	s8 =	sadd.s32 $0xFFFFE003, lr  }
0x1b: {  	s9 =	sadd.s32 $0xFFFFFEF7, lr;
	s5 =	simm.s32 $0xFFFFFFFF;
	p2 =	slt.u32 s8, $0xFFFFF086  }
0x1c: {  	p1 =	slt.u32 s9, $0xF7A;
	s5 =	simm.s32 @!p2 $0x0  }
0x1d: {  	s5 =	simm.s32 @p1 $0x1;
	p0 =	seq.s32 s7, s2  }
0x1e: {  	s7 =	smul.u32 @!p0 $0xF7A, s2;
	p2 =	seq.s32 @!p0 s5, $0x0  }
0x1f: {  	s9 =	smul.u32 $0xF7A, s1;
	s8 =	simm.s32 @!p0 $0x1BF5;
	p2 =	por !p2, p0  }
0x20: {  	[sflag:s8] =	ssyncset.s32 @!p0 $0xFFFFF086;
	s6 =	sadd.s32 @!p0 s3, s7;
	s7 =	simm.s32 @!p0 $0x108  }
0x21: {  	s3 =	sadd.s32 s3, s9;
	s6 =	sadd.s32 @!p0 $0x88, s6;
	s7 =	simm.s32 @p2 $0x1082  }
0x22: {  	[simem:s7], [sflag:s8] =	dma.local @!p0 [hbm:s6], $0xF7A  }
0x23: {  	s9 =	sor.u32 $0xD0000000, s2;
	s6 =	simm.s32 $0x108;
	_ =	swait.ge @!p0 [sflag:s8], $0x0  }
0x24: {  	s3 =	sadd.s32 $0x88, s3;
	s6 =	simm.s32 @!p1 $0x1082;
	[sflag:s4] =	ssyncset.s32 $0xFFFFF086  }
0x25: {  	[simem:s6], [sflag:s4] =	dma.local [hbm:s3], $0xF7A  }
0x26: {  	[smem:$0x3F99] =	sst s1;
	(tag) =	ssettag s2;
	_ =	strace s9  }
0x27: {  	s1 =	sld [smem:$0x3FA9]  }
0x28: {  	s2 =	sld [smem:$0x3FAA]  }
0x29: {  	s4 =	sld [smem:$0x3FAC]  }
0x2a: {  	p0 =	seq.s32 s5, $0x0;
	s5 =	sld [smem:$0x3FAD]  }
0x2b: {  	s6 =	sld [smem:$0x3FAE]  }
0x2c: {  	s7 =	sld [smem:$0x3FAF]  }
0x2d: {  	s3 =	simm.s32 $0x108;
	s8 =	sld [smem:$0x3FB0]  }
0x2e: {  	s3 =	simm.s32 @!p0 $0x1082;
	s9 =	sld [smem:$0x3FB1]  }
0x2f: {  	lr =	sadd.s32 s0, s3;
	s0 =	sld [smem:$0x3FA8]  }
0x30: {  	s3 =	sld [smem:$0x3FAB]  }
0x31: {  	[smem:$0x3FB4] =	sst s10  }
0x32: {  	s10 =	sld [smem:$0x3FB2];
	_ =	sdelay $0x3  }
0x33: {  	p0 =	seq.s32 s10, $0x1;
	s10 =	sld [smem:$0x3FB4];
	_ =	sdelay $0x3  }
0x34: {  	[smem:$0x3FB4] =	sst s10  }
0x35: {  	s10 =	sld [smem:$0x3FB3];
	_ =	sdelay $0x3  }
0x36: {  	p1 =	seq.s32 s10, $0x1;
	s10 =	sld [smem:$0x3FB4];
	_ =	sdelay $0x3  }
0x37: {  	[smem:$0x3FB4] =	sst s10  }
0x38: {  	s10 =	sld [smem:$0x3FB5]  }
0x39: {  	_ = 	snop;
	(pc) =	sbr.ind lr, $3  }
0x3a: {  	_ = 	snop  }
0x3b: {  	_ = 	snop  }
0x3c: {  	p2 =	seq.s32 s10, $0x1;
	s10 =	sld [smem:$0x3FB4]  }
0x3d: {  	_ =	shalt  }
0x3e: {  	_ =	shalt  }
0x3f: {  	_ =	shalt  }
0x40: {  	_ =	shalt  }
0x41: {  	_ =	shalt  }
0x42: {  	_ =	shalt  }
0x43: {  	_ =	shalt  }
0x44: {  	_ =	shalt  }
0x45: {  	_ =	shalt  }
0x46: {  	_ =	shalt  }
0x47: {  	_ =	shalt  }
0x48: {  	_ =	shalt  }
0x49: {  	_ =	shalt  }
0x4a: {  	_ =	shalt  }
0x4b: {  	_ =	shalt  }
0x4c: {  	_ =	shalt  }
0x4d: {  	_ =	shalt  }
0x4e: {  	_ =	shalt  }
0x4f: {  	_ =	shalt  }
0x50: {  	_ =	shalt  }
0x51: {  	_ =	shalt  }
0x52: {  	_ =	shalt  }
0x53: {  	_ =	shalt  }
0x54: {  	_ =	shalt  }
0x55: {  	_ =	shalt  }
0x56: {  	_ =	shalt  }
0x57: {  	_ =	shalt  }
0x58: {  	_ =	shalt  }
0x59: {  	_ =	shalt  }
0x5a: {  	_ =	shalt  }
0x5b: {  	_ =	shalt  }
0x5c: {  	_ =	shalt  }
0x5d: {  	_ =	shalt  }
0x5e: {  	_ =	shalt  }
0x5f: {  	_ =	shalt  }
0x60: {  	_ =	shalt  }
0x61: {  	_ =	shalt  }
0x62: {  	_ =	shalt  }
0x63: {  	_ =	shalt  }
0x64: {  	_ =	shalt  }
0x65: {  	_ =	shalt  }
0x66: {  	_ =	shalt  }
0x67: {  	_ =	shalt  }
0x68: {  	_ =	shalt  }
0x69: {  	_ =	shalt  }
0x6a: {  	_ =	shalt  }
0x6b: {  	_ =	shalt  }
0x6c: {  	_ =	shalt  }
0x6d: {  	_ =	shalt  }
0x6e: {  	_ =	shalt  }
0x6f: {  	_ =	shalt  }
0x70: {  	_ =	shalt  }
0x71: {  	_ =	shalt  }
0x72: {  	_ =	shalt  }
0x73: {  	_ =	shalt  }
0x74: {  	_ =	shalt  }
0x75: {  	_ =	shalt  }
0x76: {  	_ =	shalt  }
0x77: {  	_ =	shalt  }
0x78: {  	_ =	shalt  }
0x79: {  	_ =	shalt  }
0x7a: {  	_ =	shalt  }
0x7b: {  	_ =	shalt  }
0x7c: {  	_ =	shalt  }
0x7d: {  	_ =	shalt  }
0x7e: {  	_ =	shalt  }
0x7f: {  	_ =	shalt  }
0x80: {  	_ =	shalt  }
0x81: {  	_ =	shalt  }
0x82: {  	_ =	shalt  }
0x83: {  	_ =	shalt  }
0x84: {  	_ =	shalt  }
0x85: {  	_ =	shalt  }
0x86: {  	_ =	shalt  }
0x87: {  	_ =	shalt  }
.Lfunc_end0:
.L_simem_size_0:
called_computation.2_lowered:
.L_overlay_start_0:
0x88: {  	s2 =	sld [smem:$0x3FD9]  }
0x89: {  	s3 =	sld [smem:$0x3FFE];
	_ =	sdelay $0x1  }
0x8a: {  	s1 =	srdreg.scid  }
0x8b: {  	s0 =	sand.u32 $0x1, s1  }
0x8c: {  	s17 =	sshll.u32 s0, $0xA;
	s2 =	sadd.s32 s3, s2  }
0x8d: {  	s2 =	sadd.s32 s2, s17  }
0x8e: {  	[smem:$0x3FC0] =	sst s2  }
0x8f: {  	_ = 	snop  }
0x90: {  	s2 =	sld [smem:$0x3FD0];
	(tm) =	ssettm $0x1  }
0x91: {  	s18 =	sld [smem:$0x3FFB];
	_ =	sdelay $0x3  }
0x92: {  	_ =	strace s18  }
0x93: {  	s3 =	sld [smem:$0x3FFC];
	_ =	sdelay $0x3  }
0x94: {  	_ =	strace s3  }
0x95: {  	s3 =	sld [smem:$0x3FFD];
	_ =	sdelay $0x3  }
0x96: {  	_ =	strace s3  }
0x97: {  	_ =	strace $0x8FFFFFFF  }
0x98: {  	s19 =	sld [smem:$0x3FDB];
	_ =	sdelay $0x1  }
0x99: {  	s4 =	simm.s32 $_scs_section_size  }
0x9a: {  	s5 =	simm.s32 $_size__tile_overlayer_lowered;
	s6 =	simm.s32 $_tile_overlayer_lowered  }
0x9b: {  	s22 =	simm.s32 $0x1BFF;
	s21 =	sshll.u32 s6, $0x1;
	s3 =	sadd.s32 s4, s19  }
0x9c: {  	s7 =	simm.s32 $0x0;
	s20 =	sshll.u32 s5, $0x1;
	s5 =	sadd.s32 s21, s3  }
0x9d: {  	[timem:s7], [sflag:s22] =	dma.local [hbm:s5], s20  }
0x9e: {  	_ =	swait.ge [sflag:s22], s20  }
0x9f: {  	s4 =	ssub.s32 $0x0, s20;
	[sflag:s22] =	ssyncset.done $0x0  }
0xa0: {  	[sflag:s22] =	ssyncadd.s32 s4;
	_ =	sdelay $0x1  }
0xa1: {  	s23 =	simm.s32 $0x1B8B  }
0xa2: {  	_ =	swait.ge [sflag:s23], $0x1  }
0xa3: {  	[sflag:s23] =	ssyncset.done $0x0  }
0xa4: {  	s25 =	simm.s32 $0x1B8E;
	s24 =	sld [smem:$0x3FFE];
	[sflag:s23] =	ssyncadd.s32 $0xFFFFFFFF  }
0xa5: {  	s26 =	simm.s32 $execute0_lowered;
	[smem:$0x3FD2] =	sst s25  }
0xa6: {  	s5 =	sshll.u32 s26, $0x1;
	_ =	strace $0x8000004C;
	[dreg:$0x1] =	wrdreg $0xFFFFFFFF  }
0xa7: {  	s28 =	simm.s32 $_size_execute0_lowered;
	s3 =	sadd.s32 s3, s5;
	[dreg:$0x0] =	wrdreg $0x0  }
0xa8: {  	s5 =	sshll.u32 s28, $0x1;
	[dreg:$0x2] =	wrdreg s3  }
0xa9: {  	[dreg:$0x3] =	wrdreg s5  }
0xaa: {  	[dreg:$0x4] =	wrdreg $0xC0  }
0xab: {  	_ =	task [dreg:s7], $0x5FFFF  }
0xac: {  	[dreg:$0x1] =	wrdreg $0xFFFFFFFF  }
0xad: {  	[dreg:$0x0] =	wrdreg $0x60  }
0xae: {  	[dreg:$0x2] =	wrdreg s2  }
0xaf: {  	[dreg:$0x3] =	wrdreg s24  }
0xb0: {  	[dreg:$0x4] =	wrdreg $0x29000  }
0xb1: {  	[dreg:$0x5] =	wrdreg $0x9  }
0xb2: {  	_ =	task.clear_ibuf [dreg:s7], $0x6FFFF;
	_ =	strace $0x9000004C  }
0xb3: {  	s29 =	simm.s32 $0x9;
	_ =	strace $0x8000004E  }
0xb4: {  	_ =	swait.ge [sflag:s29], $0x1  }
0xb5: {  	[sflag:s29] =	ssyncadd.s32 $0xFFFFFFFF  }
0xb6: {  	_ =	strace $0x9000004E  }
0xb7: {  	_ =	sfence  }
0xb8: {  	s30 =	sld [smem:$0x0];
	_ =	sdelay $0x2  }
0xb9: {  	s31 =	sshll.u32 s1, $0xD;
	s1 =	sshrl.u32 s1, $0x2  }
0xba: {  	s3 =	sand.u32 $0x4000, s31;
	s1 =	sadd.s32 s1, s30  }
0xbb: {  	s0 =	sor.u32 s3, s0;
	s1 =	sshll.u32 s1, $0x11  }
0xbc: {  	s0 =	sor.u32 s1, s0  }
0xbd: {  	s0 =	sadd.s32 $0x8F2B, s0  }
0xbe: {  	[sflag:s0] =	ssyncadd.remote.s32 $0x1  }
0xbf: {  	_ =	sfence.sel $0xFFFF  }
0xc0: {  	[dreg:$0x0] =	wrdreg $0xFFFFFFFF;
	(pc) =	sbr.abs _section_cstart, $3  }
0xc1: {  	[dreg:$0x1] =	wrdreg $0xFFFFFFFF  }
0xc2: {  	_ =	task.clear_ibuf [dreg:s7], $0x2FFFF;
	_ =	strace $0x9FFFFFFF  }
0xc3: {  	(tm) =	ssettm $0x7FFFFFFF  }
tec
execute0_lowered:
.L_overlay_start_1:
0x0: {  	(tag) =	ssettag $0x1  }
0x1: {  	s0 =	rddreg [dreg:$0x0]  }
0x2: {  	s6 =	rddreg [dreg:$0x1];
	s1 =	srdreg.scid  }
0x3: {  	s3 =	rddreg [dreg:$0x2];
	s2 =	stileid.u32  }
0x4: {  	s4 =	simm.s32 $0x0;
	s14 =	simm.s32 $0x80;
	s15 =	simm.s32 $0x50  }
0x5: {  	s16 =	simm.s32 $0x100;
	s17 =	simm.s32 $0x1;
	s8 =	smul.u32 $0x2710, s2  }
0x6: {  	s5 =	sand.u32 $0x1, s1;
	s1 =	rddreg [dreg:$0x3];
	s19 =	smul.u32 $0x2700, s2  }
0x7: {  	[smem:$0x7FF] =	sst s4;
	s9 =	smul.u32 $0x4E000, s2;
	s13 =	sadd.s32 $0x124800, s3  }
0x8: {  	p0 =	seq.s32 s2, $0xF;
	s7 =	smul.u32 $0x27100, s5;
	s5 =	ssub.s32 $0x2, s5  }
0x9: {  	_ =	strace $0x8000004D;
	s30 =	sadd.s32 s19, s6;
	s11 =	sshrl.u32 s5, $0x1  }
0xa: {  	s31 =	sshrl.u32 s9, $0x2;
	s8 =	sadd.s32 s8, s7;
	s7 =	sadd.s32 s7, s6  }
0xb: {  	s11 =	ssub.s32 s5, s11;
	s12 =	sadd.s32 s31, s3;
	s5 =	sadd.s32 $0x16800, s30  }
0xc: {  	s8 =	sshrl.u32 s8, $0x3;
	s20 =	sadd.s32 $0x3DA00, s7;
	s7 =	smax.u32 s11, $0x1  }
0xd: {  	s11 =	sshll.u32 @!p0 s2, $0x6;
	s12 =	sshrl.u32 @!p0 s12, $0x3;
	s10 =	sadd.s32 s8, s6  }
0xe: {  	s6 =	sadd.s32 $0x3B100, s6;
	s11 =	sor.u32 @!p0 $0x1C02, s11;
	s18 =	sadd.s32 @p0 $0x24900, s20  }
0xf: {  	s19 =	sadd.s32 @!p0 s19, s20;
	s20 =	simm.s32 $0x0;
	s8 =	sadd.s32 $0xCA00, s10  }
0x10: {  	s9 =	sadd.s32 $0x2C00, s10;
	s10 =	sshrl.u32 @p0 s13, $0x3;
	s13 =	simm.s32 $0x2  }
.LBB2_1:
0x11: {  	s21 =	simm.s32 @p0 $0x1FC2  }
0x12: {  	[spmem:s10], [sflag:s21] =	dma.local @p0 [hbm:s6], $0x2800  }
0x13: {  	s21 =	simm.s32 @p0 $0x2  }
0x14: {  	_ =	swait.ge @p0 [sflag:s21], $0x2800  }
0x15: {  	[sflag:s21] =	ssyncset.done @p0 $0x0  }
0x16: {  	[sflag:s21] =	ssyncadd.s32 @p0 $0xFFFFD800;
	s21 =	simm.s32 @!p0 $0x2  }
0x17: {  	[spmem:s12], [sflag:s11] =	dma.local @!p0 [hbm:s5], $0x2700  }
0x18: {  	_ =	swait.ge @!p0 [sflag:s21], $0x2700  }
0x19: {  	[sflag:s21] =	ssyncset.done @!p0 $0x0  }
0x1a: {  	[sflag:s21] =	ssyncadd.s32 @!p0 $0xFFFFD900  }
0x1b: {  	s30 =	sadd.s32 $0x0, s9;
	[bflag:$0x0] =	sbarrier.arrive $0xFFFF  }
0x1c: {  	[tilespmem:s4], [sflag:$0x2] =	stream.linear.gather [hbm4b:s30+s4], $0x50, $0x38;
	[tilespmem:$0x16180] =	vst v63  }
0x1d: {  	_ =	swait.ge [sflag:s13], $0x50  }
0x1e: {  	[sflag:s13] =	ssyncset.done $0x0  }
0x1f: {  	s31 =	sadd.s32 $0x0, s8;
	[sflag:s13] =	ssyncadd.s32 $0xFFFFFFB0  }
0x20: {  	[tilespmem:s14], [sflag:$0x2] =	stream.linear.gather [hbm4b:s31+s4], $0x50, $0x38;
	[tilespmem:$0x16180] =	vst v63  }
0x21: {  	_ =	swait.ge [sflag:s13], $0x50  }
0x22: {  	[sflag:s13] =	ssyncset.done $0x0  }
0x23: {  	[sflag:s13] =	ssyncadd.s32 $0xFFFFFFB0  }
0x24: {  	[tilespmem:s16], [sflag:$0x1] =	stream.indirect.gather [hbm4b:s0+s15], $0x80, s4, s15, $0xb8;
	[tilespmem:$0x16180] =	vst v63  }
0x25: {  	_ =	swait.ge [sflag:s17], $0x2800  }
0x26: {  	[sflag:s17] =	ssyncset.done $0x0  }
0x27: {  	[sflag:s17] =	ssyncadd.s32 $0xFFFFD800  }
0x28: {  	[spmem:s3] =	stream.indirect.scatter.add.f32 [tilespmem:s16], [sflag:$0x2], $0x80, s14, s15, $0xb8;
	[tilespmem:$0x16180] =	vst v63  }
0x29: {  	_ =	swait.ge [sflag:s13], $0x2800  }
0x2a: {  	s22 =	simm.s32 $0x14;
	s21 =	simm.s32 $0xA;
	[sflag:s13] =	ssyncset.done $0x0  }
.LBB2_2:
0x2b: {  	s23 =	sadd.s32 s21, s9  }
0x2c: {  	[sflag:s13] =	ssyncadd.s32 $0xFFFFD800;
	s24 =	smov.u32 s22;
	s25 =	sadd.s32 $0xA, s22  }
0x2d: {  	[tilespmem:s4], [sflag:$0x2] =	stream.linear.gather [hbm4b:s23+s4], $0x50, $0x38;
	[tilespmem:$0x16180] =	vst v63  }
0x2e: {  	p1 =	sne.s32 s22, $0x4D8;
	_ =	swait.ge [sflag:s13], $0x50  }
0x2f: {  	[sflag:s13] =	ssyncset.done $0x0  }
0x30: {  	s22 =	sadd.s32 s21, s8;
	s21 =	smov.u32 s24;
	[sflag:s13] =	ssyncadd.s32 $0xFFFFFFB0  }
0x31: {  	[tilespmem:s14], [sflag:$0x2] =	stream.linear.gather [hbm4b:s22+s4], $0x50, $0x38;
	[tilespmem:$0x16180] =	vst v63  }
0x32: {  	_ =	swait.ge [sflag:s13], $0x50  }
0x33: {  	[sflag:s13] =	ssyncset.done $0x0  }
0x34: {  	[sflag:s13] =	ssyncadd.s32 $0xFFFFFFB0  }
0x35: {  	[tilespmem:s16], [sflag:$0x1] =	stream.indirect.gather [hbm4b:s0+s15], $0x80, s4, s15, $0xb8;
	[tilespmem:$0x16180] =	vst v63  }
0x36: {  	_ =	swait.ge [sflag:s17], $0x2800  }
.Ltmp0:
0x37: {  	[sflag:s17] =	ssyncset.done $0x0;
	(pc) =	sbr.rel @p1 .LBB2_2-.Ltmp0, $4  }
0x38: {  	[sflag:s17] =	ssyncadd.s32 $0xFFFFD800  }
0x39: {  	[spmem:s3] =	stream.indirect.scatter.add.f32 [tilespmem:s16], [sflag:$0x2], $0x80, s14, s15, $0xb8;
	[tilespmem:$0x16180] =	vst v63  }
0x3a: {  	_ =	swait.ge [sflag:s13], $0x2800  }
0x3b: {  	s22 =	smov.u32 s25;
	[sflag:s13] =	ssyncset.done $0x0  }
0x3c: {  	s22 =	sadd.s32 s21, s9;
	[sflag:s13] =	ssyncadd.s32 $0xFFFFD800  }
0x3d: {  	[tilespmem:s4], [sflag:$0x2] =	stream.linear.gather [hbm4b:s22+s4], $0x50, $0x38;
	[tilespmem:$0x16180] =	vst v63  }
0x3e: {  	_ =	swait.ge [sflag:s13], $0x50  }
0x3f: {  	[sflag:s13] =	ssyncset.done $0x0  }
0x40: {  	s31 =	sadd.s32 s21, s8;
	[sflag:s13] =	ssyncadd.s32 $0xFFFFFFB0  }
0x41: {  	[tilespmem:s14], [sflag:$0x2] =	stream.linear.gather [hbm4b:s31+s4], $0x50, $0x38;
	[tilespmem:$0x16180] =	vst v63  }
0x42: {  	_ =	swait.ge [sflag:s13], $0x50  }
0x43: {  	[sflag:s13] =	ssyncset.done $0x0  }
0x44: {  	[sflag:s13] =	ssyncadd.s32 $0xFFFFFFB0  }
0x45: {  	[tilespmem:s16], [sflag:$0x1] =	stream.indirect.gather [hbm4b:s0+s15], $0x80, s4, s15, $0xb8;
	[tilespmem:$0x16180] =	vst v63  }
0x46: {  	_ =	swait.ge [sflag:s17], $0x2800  }
0x47: {  	[sflag:s17] =	ssyncset.done $0x0  }
0x48: {  	[sflag:s17] =	ssyncadd.s32 $0xFFFFD800  }
0x49: {  	[spmem:s3] =	stream.indirect.scatter.add.f32 [tilespmem:s16], [sflag:$0x2], $0x80, s14, s15, $0xb8;
	[tilespmem:$0x16180] =	vst v63  }
0x4a: {  	_ =	swait.ge [sflag:s13], $0x2800  }
0x4b: {  	[sflag:s13] =	ssyncset.done $0x0  }
0x4c: {  	[sflag:s13] =	ssyncadd.s32 $0xFFFFD800  }
0x4d: {  	s21 =	simm.s32 @p0 $0x1FC2;
	[bflag:$0x0] =	sbarrier.arrive $0xFFFF  }
0x4e: {  	[hbm:s18], [sflag:s21] =	dma.local @p0 [spmem:s10], $0x2800  }
0x4f: {  	s21 =	simm.s32 @p0 $0x2  }
0x50: {  	s20 =	sadd.s32 $0x1, s20;
	_ =	swait.ge @p0 [sflag:s21], $0x2800  }
0x51: {  	p1 =	sne.s32 s20, s7;
	[sflag:s21] =	ssyncset.done @p0 $0x0  }
.Ltmp1:
0x52: {  	[sflag:s21] =	ssyncadd.s32 @p0 $0xFFFFD800;
	s21 =	simm.s32 @!p0 $0x2;
	(pc) =	sbr.rel @p1 .LBB2_1-.Ltmp1, $4  }
0x53: {  	[hbm:s19], [sflag:s11] =	dma.local @!p0 [spmem:s12], $0x2700  }
0x54: {  	_ =	swait.ge @!p0 [sflag:s21], $0x2700  }
0x55: {  	[sflag:s21] =	ssyncset.done @!p0 $0x0  }
0x56: {  	[sflag:s21] =	ssyncadd.s32 @!p0 $0xFFFFD900  }
0x57: {  	_ =	sfence.sel $0x180000  }
0x58: {  	[bflag:$0x0] =	sbarrier.arrive $0xFFFF  }
0x59: {  	p0 =	sne.s32 s2, $0x0;
	_ =	strace $0x9000004D  }
0x5a: {  	s0 =	sadd.s32 @!p0 $0x100000, s1;
	[bflag:$0x2] =	sbarrier.arrive $0xFFFF  }
0x5b: {  	[sflag:s0] =	ssyncadd.tile.s32 @!p0 $0x1;
	_ =	shalt  }
.Lfunc_end2:
_tile_overlayer_lowered:
.L_overlay_start_2:
0x5c: {  	(tag) =	ssettag $0x2  }
0x5d: {  	s0 =	rddreg [dreg:$0x0];
	s2 =	stileid.u32  }
0x5e: {  	s1 =	rddreg [dreg:$0x1];
	p0 =	sne.s32 s2, $0x0  }
0x5f: {  	s3 =	rddreg [dreg:$0x2];
	[bflag:$0x3] =	sbarrier.arrive $0xFFFF;
	s2 =	simm.s32 @!p0 $0x1C02  }
0x60: {  	[timem:s3], [sflag:s2] =	dma.local @!p0 [hbm:s0], s1  }
0x61: {  	s0 =	simm.s32 @!p0 $0x2  }
0x62: {  	_ =	swait.ge @!p0 [sflag:s0], s1  }
0x63: {  	s1 =	ssub.s32 @!p0 $0x0, s1;
	[sflag:s0] =	ssyncset.done @!p0 $0x0  }
0x64: {  	[sflag:s0] =	ssyncadd.s32 @!p0 s1  }
0x65: {  	[bflag:$0x3] =	sbarrier.arrive $0xFFFF  }
0x66: {  	_ =	shalt  }

// kernel: kernel.19.cloned.1.call-start
scs
__scs_entry_jumppad:
0x0: {  	(pc) =	sbr.rel $0x88, $3  }
0x1: {  	(tag) =	ssettag $0x0;
	lr =	simm.s32 $0x1  }
0x2: {  	[smem:$0x3F99] =	sst lr;
	_ =	strace $0xD0000000  }
0x3: {  	_ = 	snop  }
0x4: {  	_ = 	snop  }
0x5: {  	_ = 	snop  }
0x6: {  	_ = 	snop  }
0x7: {  	_ = 	snop  }
__scs_overlays_trampoline_lowered:
0x8: {  	[smem:$0x3FA8] =	sst s0  }
0x9: {  	[smem:$0x3FA9] =	sst s1  }
0xa: {  	[smem:$0x3FAA] =	sst s2  }
0xb: {  	[smem:$0x3FAB] =	sst s3  }
0xc: {  	[smem:$0x3FAC] =	sst s4  }
0xd: {  	[smem:$0x3FAD] =	sst s5  }
0xe: {  	[smem:$0x3FAE] =	sst s6  }
0xf: {  	[smem:$0x3FAF] =	sst s7  }
0x10: {  	[smem:$0x3FB0] =	sst s8  }
0x11: {  	[smem:$0x3FB1] =	sst s9;
	s0 =	simm.s32 @!p0 $0x0  }
0x12: {  	s1 =	sld [smem:$0x3F97];
	s0 =	simm.s32 @p0 $0x1  }
0x13: {  	[smem:$0x3FB2] =	sst s0;
	s0 =	simm.s32 @!p1 $0x0  }
0x14: {  	s2 =	sld [smem:$0x3F96];
	s0 =	simm.s32 @p1 $0x1  }
0x15: {  	[smem:$0x3FB3] =	sst s0;
	s0 =	simm.s32 @!p2 $0x0  }
0x16: {  	s3 =	sld [smem:$0x3FDB];
	s0 =	simm.s32 @p2 $0x1  }
0x17: {  	s4 =	simm.s32 $0x1BF5;
	[smem:$0x3FB5] =	sst s0  }
0x18: {  	s0 =	sld [smem:$0x3F98];
	_ =	swait.ge [sflag:s4], $0x0  }
0x19: {  	s7 =	sld [smem:$0x3F99]  }
0x1a: {  	s8 =	sadd.s32 $0xFFFFE003, lr  }
0x1b: {  	s9 =	sadd.s32 $0xFFFFFEF7, lr;
	s5 =	simm.s32 $0xFFFFFFFF;
	p2 =	slt.u32 s8, $0xFFFFF086  }
0x1c: {  	p1 =	slt.u32 s9, $0xF7A;
	s5 =	simm.s32 @!p2 $0x0  }
0x1d: {  	s5 =	simm.s32 @p1 $0x1;
	p0 =	seq.s32 s7, s2  }
0x1e: {  	s7 =	smul.u32 @!p0 $0xF7A, s2;
	p2 =	seq.s32 @!p0 s5, $0x0  }
0x1f: {  	s9 =	smul.u32 $0xF7A, s1;
	s8 =	simm.s32 @!p0 $0x1BF5;
	p2 =	por !p2, p0  }
0x20: {  	[sflag:s8] =	ssyncset.s32 @!p0 $0xFFFFF086;
	s6 =	sadd.s32 @!p0 s3, s7;
	s7 =	simm.s32 @!p0 $0x108  }
0x21: {  	s3 =	sadd.s32 s3, s9;
	s6 =	sadd.s32 @!p0 $0x88, s6;
	s7 =	simm.s32 @p2 $0x1082  }
0x22: {  	[simem:s7], [sflag:s8] =	dma.local @!p0 [hbm:s6], $0xF7A  }
0x23: {  	s9 =	sor.u32 $0xD0000000, s2;
	s6 =	simm.s32 $0x108;
	_ =	swait.ge @!p0 [sflag:s8], $0x0  }
0x24: {  	s3 =	sadd.s32 $0x88, s3;
	s6 =	simm.s32 @!p1 $0x1082;
	[sflag:s4] =	ssyncset.s32 $0xFFFFF086  }
0x25: {  	[simem:s6], [sflag:s4] =	dma.local [hbm:s3], $0xF7A  }
0x26: {  	[smem:$0x3F99] =	sst s1;
	(tag) =	ssettag s2;
	_ =	strace s9  }
0x27: {  	s1 =	sld [smem:$0x3FA9]  }
0x28: {  	s2 =	sld [smem:$0x3FAA]  }
0x29: {  	s4 =	sld [smem:$0x3FAC]  }
0x2a: {  	p0 =	seq.s32 s5, $0x0;
	s5 =	sld [smem:$0x3FAD]  }
0x2b: {  	s6 =	sld [smem:$0x3FAE]  }
0x2c: {  	s7 =	sld [smem:$0x3FAF]  }
0x2d: {  	s3 =	simm.s32 $0x108;
	s8 =	sld [smem:$0x3FB0]  }
0x2e: {  	s3 =	simm.s32 @!p0 $0x1082;
	s9 =	sld [smem:$0x3FB1]  }
0x2f: {  	lr =	sadd.s32 s0, s3;
	s0 =	sld [smem:$0x3FA8]  }
0x30: {  	s3 =	sld [smem:$0x3FAB]  }
0x31: {  	[smem:$0x3FB4] =	sst s10  }
0x32: {  	s10 =	sld [smem:$0x3FB2];
	_ =	sdelay $0x3  }
0x33: {  	p0 =	seq.s32 s10, $0x1;
	s10 =	sld [smem:$0x3FB4];
	_ =	sdelay $0x3  }
0x34: {  	[smem:$0x3FB4] =	sst s10  }
0x35: {  	s10 =	sld [smem:$0x3FB3];
	_ =	sdelay $0x3  }
0x36: {  	p1 =	seq.s32 s10, $0x1;
	s10 =	sld [smem:$0x3FB4];
	_ =	sdelay $0x3  }
0x37: {  	[smem:$0x3FB4] =	sst s10  }
0x38: {  	s10 =	sld [smem:$0x3FB5]  }
0x39: {  	_ = 	snop;
	(pc) =	sbr.ind lr, $3  }
0x3a: {  	_ = 	snop  }
0x3b: {  	_ = 	snop  }
0x3c: {  	p2 =	seq.s32 s10, $0x1;
	s10 =	sld [smem:$0x3FB4]  }
0x3d: {  	_ =	shalt  }
0x3e: {  	_ =	shalt  }
0x3f: {  	_ =	shalt  }
0x40: {  	_ =	shalt  }
0x41: {  	_ =	shalt  }
0x42: {  	_ =	shalt  }
0x43: {  	_ =	shalt  }
0x44: {  	_ =	shalt  }
0x45: {  	_ =	shalt  }
0x46: {  	_ =	shalt  }
0x47: {  	_ =	shalt  }
0x48: {  	_ =	shalt  }
0x49: {  	_ =	shalt  }
0x4a: {  	_ =	shalt  }
0x4b: {  	_ =	shalt  }
0x4c: {  	_ =	shalt  }
0x4d: {  	_ =	shalt  }
0x4e: {  	_ =	shalt  }
0x4f: {  	_ =	shalt  }
0x50: {  	_ =	shalt  }
0x51: {  	_ =	shalt  }
0x52: {  	_ =	shalt  }
0x53: {  	_ =	shalt  }
0x54: {  	_ =	shalt  }
0x55: {  	_ =	shalt  }
0x56: {  	_ =	shalt  }
0x57: {  	_ =	shalt  }
0x58: {  	_ =	shalt  }
0x59: {  	_ =	shalt  }
0x5a: {  	_ =	shalt  }
0x5b: {  	_ =	shalt  }
0x5c: {  	_ =	shalt  }
0x5d: {  	_ =	shalt  }
0x5e: {  	_ =	shalt  }
0x5f: {  	_ =	shalt  }
0x60: {  	_ =	shalt  }
0x61: {  	_ =	shalt  }
0x62: {  	_ =	shalt  }
0x63: {  	_ =	shalt  }
0x64: {  	_ =	shalt  }
0x65: {  	_ =	shalt  }
0x66: {  	_ =	shalt  }
0x67: {  	_ =	shalt  }
0x68: {  	_ =	shalt  }
0x69: {  	_ =	shalt  }
0x6a: {  	_ =	shalt  }
0x6b: {  	_ =	shalt  }
0x6c: {  	_ =	shalt  }
0x6d: {  	_ =	shalt  }
0x6e: {  	_ =	shalt  }
0x6f: {  	_ =	shalt  }
0x70: {  	_ =	shalt  }
0x71: {  	_ =	shalt  }
0x72: {  	_ =	shalt  }
0x73: {  	_ =	shalt  }
0x74: {  	_ =	shalt  }
0x75: {  	_ =	shalt  }
0x76: {  	_ =	shalt  }
0x77: {  	_ =	shalt  }
0x78: {  	_ =	shalt  }
0x79: {  	_ =	shalt  }
0x7a: {  	_ =	shalt  }
0x7b: {  	_ =	shalt  }
0x7c: {  	_ =	shalt  }
0x7d: {  	_ =	shalt  }
0x7e: {  	_ =	shalt  }
0x7f: {  	_ =	shalt  }
0x80: {  	_ =	shalt  }
0x81: {  	_ =	shalt  }
0x82: {  	_ =	shalt  }
0x83: {  	_ =	shalt  }
0x84: {  	_ =	shalt  }
0x85: {  	_ =	shalt  }
0x86: {  	_ =	shalt  }
0x87: {  	_ =	shalt  }
.Lfunc_end0:
.L_simem_size_0:
called_computation.3_lowered:
.L_overlay_start_0:
0x88: {  	s2 =	sld [smem:$0x3FD9]  }
0x89: {  	s3 =	sld [smem:$0x3FFE];
	_ =	sdelay $0x1  }
0x8a: {  	s1 =	srdreg.scid  }
0x8b: {  	s0 =	sand.u32 $0x1, s1  }
0x8c: {  	s17 =	sshll.u32 s0, $0xA;
	s2 =	sadd.s32 s3, s2  }
0x8d: {  	s2 =	sadd.s32 s2, s17  }
0x8e: {  	[smem:$0x3FC0] =	sst s2  }
0x8f: {  	_ = 	snop  }
0x90: {  	s2 =	sld [smem:$0x3FD0];
	(tm) =	ssettm $0x1  }
0x91: {  	s18 =	sld [smem:$0x3FFB];
	_ =	sdelay $0x3  }
0x92: {  	_ =	strace s18  }
0x93: {  	s3 =	sld [smem:$0x3FFC];
	_ =	sdelay $0x3  }
0x94: {  	_ =	strace s3  }
0x95: {  	s3 =	sld [smem:$0x3FFD];
	_ =	sdelay $0x3  }
0x96: {  	_ =	strace s3  }
0x97: {  	_ =	strace $0x8FFFFFFF  }
0x98: {  	s19 =	sld [smem:$0x3FDB];
	_ =	sdelay $0x1  }
0x99: {  	s4 =	simm.s32 $_scs_section_size  }
0x9a: {  	s5 =	simm.s32 $_size__tile_overlayer_lowered;
	s6 =	simm.s32 $_tile_overlayer_lowered  }
0x9b: {  	s22 =	simm.s32 $0x1BFF;
	s21 =	sshll.u32 s6, $0x1;
	s3 =	sadd.s32 s4, s19  }
0x9c: {  	s7 =	simm.s32 $0x0;
	s20 =	sshll.u32 s5, $0x1;
	s5 =	sadd.s32 s21, s3  }
0x9d: {  	[timem:s7], [sflag:s22] =	dma.local [hbm:s5], s20  }
0x9e: {  	_ =	swait.ge [sflag:s22], s20  }
0x9f: {  	s4 =	ssub.s32 $0x0, s20;
	[sflag:s22] =	ssyncset.done $0x0  }
0xa0: {  	[sflag:s22] =	ssyncadd.s32 s4;
	_ =	sdelay $0x1  }
0xa1: {  	s23 =	simm.s32 $0x1B8B  }
0xa2: {  	_ =	swait.ge [sflag:s23], $0x1  }
0xa3: {  	[sflag:s23] =	ssyncset.done $0x0  }
0xa4: {  	s25 =	simm.s32 $0x1B8E;
	s24 =	sld [smem:$0x3FFE];
	[sflag:s23] =	ssyncadd.s32 $0xFFFFFFFF  }
0xa5: {  	s26 =	simm.s32 $execute0_lowered;
	[smem:$0x3FD2] =	sst s25  }
0xa6: {  	s5 =	sshll.u32 s26, $0x1;
	_ =	strace $0x8000004F;
	[dreg:$0x1] =	wrdreg $0xFFFFFFFF  }
0xa7: {  	s28 =	simm.s32 $_size_execute0_lowered;
	s3 =	sadd.s32 s3, s5;
	[dreg:$0x0] =	wrdreg $0x0  }
0xa8: {  	s5 =	sshll.u32 s28, $0x1;
	[dreg:$0x2] =	wrdreg s3  }
0xa9: {  	[dreg:$0x3] =	wrdreg s5  }
0xaa: {  	[dreg:$0x4] =	wrdreg $0xC0  }
0xab: {  	_ =	task [dreg:s7], $0x5FFFF  }
0xac: {  	[dreg:$0x1] =	wrdreg $0xFFFFFFFF  }
0xad: {  	[dreg:$0x0] =	wrdreg $0x60  }
0xae: {  	[dreg:$0x2] =	wrdreg s2  }
0xaf: {  	[dreg:$0x3] =	wrdreg s24  }
0xb0: {  	[dreg:$0x4] =	wrdreg $0x29000  }
0xb1: {  	[dreg:$0x5] =	wrdreg $0x9  }
0xb2: {  	_ =	task.clear_ibuf [dreg:s7], $0x6FFFF;
	_ =	strace $0x9000004F  }
0xb3: {  	s29 =	simm.s32 $0x9;
	_ =	strace $0x80000051  }
0xb4: {  	_ =	swait.ge [sflag:s29], $0x1  }
0xb5: {  	[sflag:s29] =	ssyncadd.s32 $0xFFFFFFFF  }
0xb6: {  	_ =	strace $0x90000051  }
0xb7: {  	_ =	sfence  }
0xb8: {  	s30 =	sld [smem:$0x0];
	_ =	sdelay $0x2  }
0xb9: {  	s31 =	sshll.u32 s1, $0xD;
	s1 =	sshrl.u32 s1, $0x2  }
0xba: {  	s3 =	sand.u32 $0x4000, s31;
	s1 =	sadd.s32 s1, s30  }
0xbb: {  	s0 =	sor.u32 s3, s0;
	s1 =	sshll.u32 s1, $0x11  }
0xbc: {  	s0 =	sor.u32 s1, s0  }
0xbd: {  	s0 =	sadd.s32 $0x8F2B, s0  }
0xbe: {  	[sflag:s0] =	ssyncadd.remote.s32 $0x1  }
0xbf: {  	_ =	sfence.sel $0xFFFF  }
0xc0: {  	[dreg:$0x0] =	wrdreg $0xFFFFFFFF;
	(pc) =	sbr.abs _section_cstart, $3  }
0xc1: {  	[dreg:$0x1] =	wrdreg $0xFFFFFFFF  }
0xc2: {  	_ =	task.clear_ibuf [dreg:s7], $0x2FFFF;
	_ =	strace $0x9FFFFFFF  }
0xc3: {  	(tm) =	ssettm $0x7FFFFFFF  }
tec
execute0_lowered:
.L_overlay_start_1:
0x0: {  	(tag) =	ssettag $0x1  }
0x1: {  	s0 =	rddreg [dreg:$0x0]  }
0x2: {  	s6 =	rddreg [dreg:$0x1];
	s1 =	srdreg.scid  }
0x3: {  	s3 =	rddreg [dreg:$0x2];
	s2 =	stileid.u32  }
0x4: {  	s4 =	simm.s32 $0x0;
	s14 =	simm.s32 $0x80;
	s15 =	simm.s32 $0x50  }
0x5: {  	s16 =	simm.s32 $0x100;
	s17 =	simm.s32 $0x1;
	s8 =	smul.u32 $0x2710, s2  }
0x6: {  	s5 =	sand.u32 $0x1, s1;
	s1 =	rddreg [dreg:$0x3];
	s19 =	smul.u32 $0x2700, s2  }
0x7: {  	[smem:$0x7FF] =	sst s4;
	s9 =	smul.u32 $0x4E000, s2;
	s13 =	sadd.s32 $0x124800, s3  }
0x8: {  	p0 =	seq.s32 s2, $0xF;
	s7 =	smul.u32 $0x27100, s5;
	s5 =	ssub.s32 $0x2, s5  }
0x9: {  	_ =	strace $0x80000050;
	s30 =	sadd.s32 s19, s6;
	s11 =	sshrl.u32 s5, $0x1  }
0xa: {  	s31 =	sshrl.u32 s9, $0x2;
	s8 =	sadd.s32 s8, s7;
	s7 =	sadd.s32 s7, s6  }
0xb: {  	s11 =	ssub.s32 s5, s11;
	s12 =	sadd.s32 s31, s3;
	s5 =	sadd.s32 $0x16800, s30  }
0xc: {  	s8 =	sshrl.u32 s8, $0x3;
	s20 =	sadd.s32 $0x3DA00, s7;
	s7 =	smax.u32 s11, $0x1  }
0xd: {  	s11 =	sshll.u32 @!p0 s2, $0x6;
	s12 =	sshrl.u32 @!p0 s12, $0x3;
	s10 =	sadd.s32 s8, s6  }
0xe: {  	s6 =	sadd.s32 $0x3B100, s6;
	s11 =	sor.u32 @!p0 $0x1C02, s11;
	s18 =	sadd.s32 @p0 $0x24900, s20  }
0xf: {  	s19 =	sadd.s32 @!p0 s19, s20;
	s20 =	simm.s32 $0x0;
	s8 =	sadd.s32 $0xCA00, s10  }
0x10: {  	s9 =	sadd.s32 $0x2C00, s10;
	s10 =	sshrl.u32 @p0 s13, $0x3;
	s13 =	simm.s32 $0x2  }
.LBB2_1:
0x11: {  	s21 =	simm.s32 @p0 $0x1FC2  }
0x12: {  	[spmem:s10], [sflag:s21] =	dma.local @p0 [hbm:s6], $0x2800  }
0x13: {  	s21 =	simm.s32 @p0 $0x2  }
0x14: {  	_ =	swait.ge @p0 [sflag:s21], $0x2800  }
0x15: {  	[sflag:s21] =	ssyncset.done @p0 $0x0  }
0x16: {  	[sflag:s21] =	ssyncadd.s32 @p0 $0xFFFFD800;
	s21 =	simm.s32 @!p0 $0x2  }
0x17: {  	[spmem:s12], [sflag:s11] =	dma.local @!p0 [hbm:s5], $0x2700  }
0x18: {  	_ =	swait.ge @!p0 [sflag:s21], $0x2700  }
0x19: {  	[sflag:s21] =	ssyncset.done @!p0 $0x0  }
0x1a: {  	[sflag:s21] =	ssyncadd.s32 @!p0 $0xFFFFD900  }
0x1b: {  	s30 =	sadd.s32 $0x0, s9;
	[bflag:$0x0] =	sbarrier.arrive $0xFFFF  }
0x1c: {  	[tilespmem:s4], [sflag:$0x2] =	stream.linear.gather [hbm4b:s30+s4], $0x50, $0x38;
	[tilespmem:$0x16180] =	vst v63  }
0x1d: {  	_ =	swait.ge [sflag:s13], $0x50  }
0x1e: {  	[sflag:s13] =	ssyncset.done $0x0  }
0x1f: {  	s31 =	sadd.s32 $0x0, s8;
	[sflag:s13] =	ssyncadd.s32 $0xFFFFFFB0  }
0x20: {  	[tilespmem:s14], [sflag:$0x2] =	stream.linear.gather [hbm4b:s31+s4], $0x50, $0x38;
	[tilespmem:$0x16180] =	vst v63  }
0x21: {  	_ =	swait.ge [sflag:s13], $0x50  }
0x22: {  	[sflag:s13] =	ssyncset.done $0x0  }
0x23: {  	[sflag:s13] =	ssyncadd.s32 $0xFFFFFFB0  }
0x24: {  	[tilespmem:s16], [sflag:$0x1] =	stream.indirect.gather [hbm4b:s0+s15], $0x80, s4, s15, $0xb8;
	[tilespmem:$0x16180] =	vst v63  }
0x25: {  	_ =	swait.ge [sflag:s17], $0x2800  }
0x26: {  	[sflag:s17] =	ssyncset.done $0x0  }
0x27: {  	[sflag:s17] =	ssyncadd.s32 $0xFFFFD800  }
0x28: {  	[spmem:s3] =	stream.indirect.scatter.add.f32 [tilespmem:s16], [sflag:$0x2], $0x80, s14, s15, $0xb8;
	[tilespmem:$0x16180] =	vst v63  }
0x29: {  	_ =	swait.ge [sflag:s13], $0x2800  }
0x2a: {  	s22 =	simm.s32 $0x14;
	s21 =	simm.s32 $0xA;
	[sflag:s13] =	ssyncset.done $0x0  }
.LBB2_2:
0x2b: {  	s23 =	sadd.s32 s21, s9  }
0x2c: {  	[sflag:s13] =	ssyncadd.s32 $0xFFFFD800;
	s24 =	smov.u32 s22;
	s25 =	sadd.s32 $0xA, s22  }
0x2d: {  	[tilespmem:s4], [sflag:$0x2] =	stream.linear.gather [hbm4b:s23+s4], $0x50, $0x38;
	[tilespmem:$0x16180] =	vst v63  }
0x2e: {  	p1 =	sne.s32 s22, $0x4D8;
	_ =	swait.ge [sflag:s13], $0x50  }
0x2f: {  	[sflag:s13] =	ssyncset.done $0x0  }
0x30: {  	s22 =	sadd.s32 s21, s8;
	s21 =	smov.u32 s24;
	[sflag:s13] =	ssyncadd.s32 $0xFFFFFFB0  }
0x31: {  	[tilespmem:s14], [sflag:$0x2] =	stream.linear.gather [hbm4b:s22+s4], $0x50, $0x38;
	[tilespmem:$0x16180] =	vst v63  }
0x32: {  	_ =	swait.ge [sflag:s13], $0x50  }
0x33: {  	[sflag:s13] =	ssyncset.done $0x0  }
0x34: {  	[sflag:s13] =	ssyncadd.s32 $0xFFFFFFB0  }
0x35: {  	[tilespmem:s16], [sflag:$0x1] =	stream.indirect.gather [hbm4b:s0+s15], $0x80, s4, s15, $0xb8;
	[tilespmem:$0x16180] =	vst v63  }
0x36: {  	_ =	swait.ge [sflag:s17], $0x2800  }
.Ltmp0:
0x37: {  	[sflag:s17] =	ssyncset.done $0x0;
	(pc) =	sbr.rel @p1 .LBB2_2-.Ltmp0, $4  }
0x38: {  	[sflag:s17] =	ssyncadd.s32 $0xFFFFD800  }
0x39: {  	[spmem:s3] =	stream.indirect.scatter.add.f32 [tilespmem:s16], [sflag:$0x2], $0x80, s14, s15, $0xb8;
	[tilespmem:$0x16180] =	vst v63  }
0x3a: {  	_ =	swait.ge [sflag:s13], $0x2800  }
0x3b: {  	s22 =	smov.u32 s25;
	[sflag:s13] =	ssyncset.done $0x0  }
0x3c: {  	s22 =	sadd.s32 s21, s9;
	[sflag:s13] =	ssyncadd.s32 $0xFFFFD800  }
0x3d: {  	[tilespmem:s4], [sflag:$0x2] =	stream.linear.gather [hbm4b:s22+s4], $0x50, $0x38;
	[tilespmem:$0x16180] =	vst v63  }
0x3e: {  	_ =	swait.ge [sflag:s13], $0x50  }
0x3f: {  	[sflag:s13] =	ssyncset.done $0x0  }
0x40: {  	s31 =	sadd.s32 s21, s8;
	[sflag:s13] =	ssyncadd.s32 $0xFFFFFFB0  }
0x41: {  	[tilespmem:s14], [sflag:$0x2] =	stream.linear.gather [hbm4b:s31+s4], $0x50, $0x38;
	[tilespmem:$0x16180] =	vst v63  }
0x42: {  	_ =	swait.ge [sflag:s13], $0x50  }
0x43: {  	[sflag:s13] =	ssyncset.done $0x0  }
0x44: {  	[sflag:s13] =	ssyncadd.s32 $0xFFFFFFB0  }
0x45: {  	[tilespmem:s16], [sflag:$0x1] =	stream.indirect.gather [hbm4b:s0+s15], $0x80, s4, s15, $0xb8;
	[tilespmem:$0x16180] =	vst v63  }
0x46: {  	_ =	swait.ge [sflag:s17], $0x2800  }
0x47: {  	[sflag:s17] =	ssyncset.done $0x0  }
0x48: {  	[sflag:s17] =	ssyncadd.s32 $0xFFFFD800  }
0x49: {  	[spmem:s3] =	stream.indirect.scatter.add.f32 [tilespmem:s16], [sflag:$0x2], $0x80, s14, s15, $0xb8;
	[tilespmem:$0x16180] =	vst v63  }
0x4a: {  	_ =	swait.ge [sflag:s13], $0x2800  }
0x4b: {  	[sflag:s13] =	ssyncset.done $0x0  }
0x4c: {  	[sflag:s13] =	ssyncadd.s32 $0xFFFFD800  }
0x4d: {  	s21 =	simm.s32 @p0 $0x1FC2;
	[bflag:$0x0] =	sbarrier.arrive $0xFFFF  }
0x4e: {  	[hbm:s18], [sflag:s21] =	dma.local @p0 [spmem:s10], $0x2800  }
0x4f: {  	s21 =	simm.s32 @p0 $0x2  }
0x50: {  	s20 =	sadd.s32 $0x1, s20;
	_ =	swait.ge @p0 [sflag:s21], $0x2800  }
0x51: {  	p1 =	sne.s32 s20, s7;
	[sflag:s21] =	ssyncset.done @p0 $0x0  }
.Ltmp1:
0x52: {  	[sflag:s21] =	ssyncadd.s32 @p0 $0xFFFFD800;
	s21 =	simm.s32 @!p0 $0x2;
	(pc) =	sbr.rel @p1 .LBB2_1-.Ltmp1, $4  }
0x53: {  	[hbm:s19], [sflag:s11] =	dma.local @!p0 [spmem:s12], $0x2700  }
0x54: {  	_ =	swait.ge @!p0 [sflag:s21], $0x2700  }
0x55: {  	[sflag:s21] =	ssyncset.done @!p0 $0x0  }
0x56: {  	[sflag:s21] =	ssyncadd.s32 @!p0 $0xFFFFD900  }
0x57: {  	_ =	sfence.sel $0x180000  }
0x58: {  	[bflag:$0x0] =	sbarrier.arrive $0xFFFF  }
0x59: {  	p0 =	sne.s32 s2, $0x0;
	_ =	strace $0x90000050  }
0x5a: {  	s0 =	sadd.s32 @!p0 $0x100000, s1;
	[bflag:$0x2] =	sbarrier.arrive $0xFFFF  }
0x5b: {  	[sflag:s0] =	ssyncadd.tile.s32 @!p0 $0x1;
	_ =	shalt  }
.Lfunc_end2:
_tile_overlayer_lowered:
.L_overlay_start_2:
0x5c: {  	(tag) =	ssettag $0x2  }
0x5d: {  	s0 =	rddreg [dreg:$0x0];
	s2 =	stileid.u32  }
0x5e: {  	s1 =	rddreg [dreg:$0x1];
	p0 =	sne.s32 s2, $0x0  }
0x5f: {  	s3 =	rddreg [dreg:$0x2];
	[bflag:$0x3] =	sbarrier.arrive $0xFFFF;
	s2 =	simm.s32 @!p0 $0x1C02  }
0x60: {  	[timem:s3], [sflag:s2] =	dma.local @!p0 [hbm:s0], s1  }
0x61: {  	s0 =	simm.s32 @!p0 $0x2  }
0x62: {  	_ =	swait.ge @!p0 [sflag:s0], s1  }
0x63: {  	s1 =	ssub.s32 @!p0 $0x0, s1;
	[sflag:s0] =	ssyncset.done @!p0 $0x0  }
0x64: {  	[sflag:s0] =	ssyncadd.s32 @!p0 s1  }
0x65: {  	[bflag:$0x3] =	sbarrier.arrive $0xFFFF  }
0x66: {  	_ =	shalt  }

</sc_bundles>
